<compile_context>
chip_gen: v7x
topology: tpu7x:2x2x1
jax: 0.10.2.dev20260603
libtpu: 0.0.44.dev20260713+nightly
codegen_flags: <defaults>
</compile_context>

<pallas_src>
import functools

import jax
import jax.numpy as jnp
from jax import lax
from jax.experimental import pallas as pl
from jax.experimental.pallas import tpu as pltpu
from jax.experimental.pallas import tpu_sc as plsc

V = 1000
N = 1024 * 50
VP = 1008

_info = plsc.get_sparse_core_info()
_NC, _NS = _info.num_cores, _info.num_subcores
NW = _NC * _NS
BPW = N // NW
RCH = 40
NRC = BPW // RCH
NG16 = BPW // 16

_mesh = plsc.VectorSubcoreMesh(core_axis_name="c", subcore_axis_name="s")


def _sc_body(idx_hbm, tgt_hbm, table_hbm,
             out_hbm, hist_hbm, s2p_hbm,
             idx_v, tgt_v, rows0_v, rows1_v, hist_v, acc_v,
             semg0, semg1, sems0, sems1):
  wid = lax.axis_index("s") * _NC + lax.axis_index("c")
  base = wid * BPW
  pltpu.sync_copy(idx_hbm.at[pl.ds(base, BPW)], idx_v)
  pltpu.sync_copy(tgt_hbm.at[pl.ds(base, BPW)], tgt_v)

  zz = jnp.zeros((16,), jnp.float32)

  def zbody(i, c):
    hist_v[pl.ds(i * 16, 16)] = zz
    return c
  lax.fori_loop(0, VP // 16, zbody, 0)
  acc_v[...] = zz

  ones = jnp.ones((16,), jnp.float32)

  def hbody(i, c):
    plsc.addupdate_scatter(hist_v, [idx_v[pl.ds(i * 16, 16)]], ones)
    return c
  lax.fori_loop(0, NG16, hbody, 0)

  pltpu.sync_copy(hist_v, hist_hbm.at[wid])

  def issue_gather(c, buf, semg):
    pltpu.async_copy(table_hbm.at[idx_v.at[pl.ds(c * RCH, RCH)]], buf, semg)

  def wait_gather(c, buf, semg):
    pltpu.make_async_copy(
        table_hbm.at[idx_v.at[pl.ds(c * RCH, RCH)]], buf, semg).wait()

  def issue_scatter(c, buf, sems):
    pltpu.async_copy(buf, out_hbm.at[pl.ds(base + c * RCH, RCH)], sems)

  def wait_scatter(c, buf, sems):
    pltpu.make_async_copy(
        buf, out_hbm.at[pl.ds(base + c * RCH, RCH)], sems).wait()

  def consume(c, buf):
    for g in range(RCH // 16):
      rr = jnp.arange(16, dtype=jnp.int32) + (g * 16)
      tt = tgt_v[pl.ds(c * RCH + g * 16, 16)]
      acc_v[...] = acc_v[...] + plsc.load_gather(buf, [rr, tt])

  def step(k, buf, semg, sems, obuf, osemg, osems, first, last):
    if not first:
      wait_scatter(k - 1, obuf, osems)
    if not last:
      issue_gather(k + 1, obuf, osemg)
    wait_gather(k, buf, semg)
    issue_scatter(k, buf, sems)
    consume(k, buf)

  issue_gather(0, rows0_v, semg0)
  step(0, rows0_v, semg0, sems0, rows1_v, semg1, sems1, True, False)

  def pbody(p, carry):
    k = 2 * p - 1
    step(k, rows1_v, semg1, sems1, rows0_v, semg0, sems0, False, False)
    step(k + 1, rows0_v, semg0, sems0, rows1_v, semg1, sems1, False, False)
    return carry
  lax.fori_loop(1, NRC // 2, pbody, 0)

  step(NRC - 1, rows1_v, semg1, sems1, rows0_v, semg0, sems0, False, True)
  wait_scatter(NRC - 1, rows1_v, sems1)

  pltpu.sync_copy(acc_v, s2p_hbm.at[wid])


_sc_gather = functools.partial(
    pl.kernel,
    out_type=[
        jax.ShapeDtypeStruct((N, V), jnp.float32),
        jax.ShapeDtypeStruct((NW, VP), jnp.float32),
        jax.ShapeDtypeStruct((NW, 16), jnp.float32),
    ],
    mesh=_mesh,
    compiler_params=pltpu.CompilerParams(
        needs_layout_passes=False, use_tc_tiling_on_sc=False),
    scratch_types=[
        pltpu.VMEM((BPW,), jnp.int32),
        pltpu.VMEM((BPW,), jnp.int32),
        pltpu.VMEM((RCH, V), jnp.float32),
        pltpu.VMEM((RCH, V), jnp.float32),
        pltpu.VMEM((VP,), jnp.float32),
        pltpu.VMEM((16,), jnp.float32),
        pltpu.SemaphoreType.DMA,
        pltpu.SemaphoreType.DMA,
        pltpu.SemaphoreType.DMA,
        pltpu.SemaphoreType.DMA,
    ],
)(_sc_body)


def _tc_body(table_ref, hist_ref, s2p_ref, loss_ref):
  tab = table_ref[...]
  m = jnp.max(tab, axis=1, keepdims=True)
  se = jnp.sum(jnp.exp(tab - m), axis=1, keepdims=True)
  lse = m + jnp.log(se)
  cnt = jnp.sum(hist_ref[...], axis=0, keepdims=True)[:, :V]
  tot = lax.dot_general(cnt, lse, (((1,), (0,)), ((), ())),
                        preferred_element_type=jnp.float32,
                        precision=lax.Precision.HIGHEST)
  s2 = jnp.sum(s2p_ref[...])
  loss_ref[...] = (tot - s2) * (1.0 / N)


_tc_loss = pl.pallas_call(
    _tc_body,
    out_shape=jax.ShapeDtypeStruct((1, 1), jnp.float32),
)


def kernel(idx, targets, table):
  b, s = idx.shape
  logits_flat, hist, s2p = _sc_gather(
      idx.reshape(-1), targets.reshape(-1), table)
  loss = _tc_loss(table, hist, s2p)
  return logits_flat.reshape(b, s, V), loss[0, 0]

# --- scband reference (transcript-rebuilt; emitter-appended) ---
"""Pipeline reference for scband-bigram-language-model-57088705298782 (READ-ONLY COPY).

The authoritative reference and input builder live on the scoring server;
editing this copy changes nothing except your own understanding.
"""

import jax, jax.numpy as jnp
import numpy as np

VOCAB = 1000
BATCH = 1024
SEQ = 50


def setup_inputs(seed: int = 0) -> dict:
    key = jax.random.key(seed)
    k1, k2, k3 = jax.random.split(key, 3)
    idx = jax.random.randint(k1, (BATCH, SEQ), 0, VOCAB, dtype=jnp.int64 if jax.config.jax_enable_x64 else jnp.int32).astype(jnp.int32)
    targets = jax.random.randint(k2, (BATCH, SEQ), 0, VOCAB).astype(jnp.int32)
    # learned parameter: token embedding table of shape [vocab, vocab]
    table = jax.random.normal(k3, (VOCAB, VOCAB), dtype=jnp.float32) * 0.02
    return {"idx": idx, "targets": targets, "table": table}


def reference(idx, targets, table):
    # logits = token_embedding_table(idx)  -> embedding gather
    logits = jnp.take(table, idx, axis=0)  # [B, S, VOCAB]
    C = logits.shape[-1]
    flat_logits = logits.reshape(-1, C)
    flat_targets = targets.reshape(-1)
    # F.cross_entropy == mean NLL of log_softmax at target index
    logp = jax.nn.log_softmax(flat_logits, axis=-1)
    nll = -jnp.take_along_axis(logp, flat_targets[:, None], axis=1)[:, 0]
    loss = jnp.mean(nll)
    return (logits, loss)

if __name__ == "__main__":
    import jax
    _d = setup_inputs()
    print(jax.jit(kernel)(*tuple(_d.values())))

</pallas_src>

<mosaic_0001>
#map = affine_map<(d0, d1) -> (0)>
#map1 = affine_map<(d0, d1) -> (0, 0)>
module attributes {stable_mosaic.version = 14 : i64} {
  func.func @_sc_body(%arg0: i32, %arg1: i32, %arg2: memref<51200xi32, #tpu.memory_space<hbm>>, %arg3: memref<51200xi32, #tpu.memory_space<hbm>>, %arg4: memref<1000x1000xf32, #tpu.memory_space<hbm>>, %arg5: memref<51200x1000xf32, #tpu.memory_space<hbm>>, %arg6: memref<32x1008xf32, #tpu.memory_space<hbm>>, %arg7: memref<32x16xf32, #tpu.memory_space<hbm>>, %arg8: memref<1600xi32, #tpu.memory_space<vmem>>, %arg9: memref<1600xi32, #tpu.memory_space<vmem>>, %arg10: memref<40x1000xf32, #tpu.memory_space<vmem>>, %arg11: memref<40x1000xf32, #tpu.memory_space<vmem>>, %arg12: memref<1008xf32, #tpu.memory_space<vmem>>, %arg13: memref<16xf32, #tpu.memory_space<vmem>>, %arg14: memref<!tpu.dma_semaphore, #tpu.memory_space<semaphore_mem>>, %arg15: memref<!tpu.dma_semaphore, #tpu.memory_space<semaphore_mem>>, %arg16: memref<!tpu.dma_semaphore, #tpu.memory_space<semaphore_mem>>, %arg17: memref<!tpu.dma_semaphore, #tpu.memory_space<semaphore_mem>>) attributes {dimension_semantics = [#tpu.dimension_semantics<core_parallel>, #tpu.dimension_semantics<subcore_parallel>], iteration_bounds = array<i64: 2, 16>, scalar_prefetch = 0 : i64, scratch_operands = 10 : i64, tpu.core_type = #tpu.core_type<sc_vector_subcore>, window_params = [{transform_indices = #map}, {transform_indices = #map}, {transform_indices = #map1}, {transform_indices = #map1}, {transform_indices = #map1}, {transform_indices = #map1}]} {
    %mul3A = arith.constant 2 : i32
    %mul3A_0 = arith.muli %arg1, %mul3A : i32
    %add3A = arith.addi %mul3A_0, %arg0 : i32
    %mul3A_1 = arith.constant 1600 : i32
    %mul3A_2 = arith.muli %add3A, %mul3A_1 : i32
    "tpu.region"() ({
      %run_scoped3A = tpu.sem_alloc : memref<!tpu.dma_semaphore, #tpu.memory_space<semaphore_mem>>
      %dma_start3A_111 = tpu.memref_slice %arg2[%mul3A_2] : memref<51200xi32, #tpu.memory_space<hbm>> -> memref<1600xi32, #tpu.memory_space<hbm>>
      %dma_start3A_112 = tpu.memref_slice %arg2[%mul3A_2] : memref<51200xi32, #tpu.memory_space<hbm>> -> memref<1600xi32, #tpu.memory_space<hbm>>
      tpu.enqueue_dma source(%dma_start3A_112 : memref<1600xi32, #tpu.memory_space<hbm>>) target(%arg8 : memref<1600xi32, #tpu.memory_space<vmem>>) target_semaphore(%run_scoped3A : memref<!tpu.dma_semaphore, #tpu.memory_space<semaphore_mem>>)
      %dma_wait3A_113 = tpu.memref_slice %arg2[%mul3A_2] : memref<51200xi32, #tpu.memory_space<hbm>> -> memref<1600xi32, #tpu.memory_space<hbm>>
      %dma_wait3A_114 = tpu.memref_slice %arg2[%mul3A_2] : memref<51200xi32, #tpu.memory_space<hbm>> -> memref<1600xi32, #tpu.memory_space<hbm>>
      tpu.wait_dma2 semaphore(%run_scoped3A : memref<!tpu.dma_semaphore, #tpu.memory_space<semaphore_mem>>) src(%dma_wait3A_114 : memref<1600xi32, #tpu.memory_space<hbm>>) dst(%arg8 : memref<1600xi32, #tpu.memory_space<vmem>>)
      tpu.yield
    }) : () -> ()
    "tpu.region"() ({
      %run_scoped3A = tpu.sem_alloc : memref<!tpu.dma_semaphore, #tpu.memory_space<semaphore_mem>>
      %dma_start3A_111 = tpu.memref_slice %arg3[%mul3A_2] : memref<51200xi32, #tpu.memory_space<hbm>> -> memref<1600xi32, #tpu.memory_space<hbm>>
      %dma_start3A_112 = tpu.memref_slice %arg3[%mul3A_2] : memref<51200xi32, #tpu.memory_space<hbm>> -> memref<1600xi32, #tpu.memory_space<hbm>>
      tpu.enqueue_dma source(%dma_start3A_112 : memref<1600xi32, #tpu.memory_space<hbm>>) target(%arg9 : memref<1600xi32, #tpu.memory_space<vmem>>) target_semaphore(%run_scoped3A : memref<!tpu.dma_semaphore, #tpu.memory_space<semaphore_mem>>)
      %dma_wait3A_113 = tpu.memref_slice %arg3[%mul3A_2] : memref<51200xi32, #tpu.memory_space<hbm>> -> memref<1600xi32, #tpu.memory_space<hbm>>
      %dma_wait3A_114 = tpu.memref_slice %arg3[%mul3A_2] : memref<51200xi32, #tpu.memory_space<hbm>> -> memref<1600xi32, #tpu.memory_space<hbm>>
      tpu.wait_dma2 semaphore(%run_scoped3A : memref<!tpu.dma_semaphore, #tpu.memory_space<semaphore_mem>>) src(%dma_wait3A_114 : memref<1600xi32, #tpu.memory_space<hbm>>) dst(%arg9 : memref<1600xi32, #tpu.memory_space<vmem>>)
      tpu.yield
    }) : () -> ()
    %broadcast_in_dim3A = arith.constant 0.000000e+00 : f32
    %broadcast_in_dim3A_3 = vector.broadcast %broadcast_in_dim3A : f32 to vector<16xf32>
    %scan3A = arith.constant 0 : i32
    %scan3A_4 = arith.constant 0 : i32
    %scan3A_5 = arith.constant 63 : i32
    %scan3A_6 = arith.addi %scan3A_4, %scan3A_5 : i32
    %scan3A_7 = arith.constant 1 : i32
    scf.for %scan3A_111 = %scan3A_4 to %scan3A_6 step %scan3A_7  : i32 {
      %mul3A_112 = arith.constant 16 : i32
      %mul3A_113 = arith.muli %scan3A_111, %mul3A_112 : i32
      %swap3A_114 = arith.index_cast %mul3A_113 : i32 to index
      %swap3A_115 = tpu.vector_load %arg12[%swap3A_114] {strides = array<i32>} : memref<1008xf32, #tpu.memory_space<vmem>>, vector<16xf32>,
      tpu.vector_store %arg12[%swap3A_114], %broadcast_in_dim3A_3 {strides = array<i32>} : memref<1008xf32, #tpu.memory_space<vmem>>, vector<16xf32>,
    }
    %scan3A_8 = arith.constant 63 : i32
    %swap3A = arith.constant 0 : index
    %swap3A_9 = tpu.vector_load %arg13[%swap3A] {strides = array<i32>} : memref<16xf32, #tpu.memory_space<vmem>>, vector<16xf32>,
    tpu.vector_store %arg13[%swap3A], %broadcast_in_dim3A_3 {strides = array<i32>} : memref<16xf32, #tpu.memory_space<vmem>>, vector<16xf32>,
    %broadcast_in_dim3A_10 = arith.constant 1.000000e+00 : f32
    %broadcast_in_dim3A_11 = vector.broadcast %broadcast_in_dim3A_10 : f32 to vector<16xf32>
    %scan3A_12 = arith.constant 0 : i32
    %scan3A_13 = arith.constant 0 : i32
    %scan3A_14 = arith.constant 100 : i32
    %scan3A_15 = arith.addi %scan3A_13, %scan3A_14 : i32
    %scan3A_16 = arith.constant 1 : i32
    scf.for %scan3A_111 = %scan3A_13 to %scan3A_15 step %scan3A_16  : i32 {
      %mul3A_112 = arith.constant 16 : i32
      %mul3A_113 = arith.muli %scan3A_111, %mul3A_112 : i32
      %get3A_114 = arith.index_cast %mul3A_113 : i32 to index
      %get3A_115 = tpu.vector_load %arg8[%get3A_114] {strides = array<i32>} : memref<1600xi32, #tpu.memory_space<vmem>>, vector<16xi32>,
      tpu.vector_store_idx %arg12[%get3A_115], %broadcast_in_dim3A_11 {add = true} : memref<1008xf32, #tpu.memory_space<vmem>>[vector<16xi32>], vector<16xf32>,
    }
    %scan3A_17 = arith.constant 100 : i32
    "tpu.region"() ({
      %run_scoped3A = tpu.sem_alloc : memref<!tpu.dma_semaphore, #tpu.memory_space<semaphore_mem>>
      %dma_start3A_111 = arith.constant 0 : i32
      %dma_start3A_112 = tpu.memref_slice %arg6[%add3A, %dma_start3A_111] : memref<32x1008xf32, #tpu.memory_space<hbm>> -> memref<1x1008xf32, #tpu.memory_space<hbm>>
      %dma_start3A_113 = tpu.memref_squeeze %dma_start3A_112 : memref<1x1008xf32, #tpu.memory_space<hbm>> -> memref<1008xf32, #tpu.memory_space<hbm>>
      %dma_start3A_114 = arith.constant 0 : i32
      %dma_start3A_115 = tpu.memref_slice %arg6[%add3A, %dma_start3A_114] : memref<32x1008xf32, #tpu.memory_space<hbm>> -> memref<1x1008xf32, #tpu.memory_space<hbm>>
      %dma_start3A_116 = tpu.memref_squeeze %dma_start3A_115 : memref<1x1008xf32, #tpu.memory_space<hbm>> -> memref<1008xf32, #tpu.memory_space<hbm>>
      tpu.enqueue_dma source(%arg12 : memref<1008xf32, #tpu.memory_space<vmem>>) target(%dma_start3A_116 : memref<1008xf32, #tpu.memory_space<hbm>>) target_semaphore(%run_scoped3A : memref<!tpu.dma_semaphore, #tpu.memory_space<semaphore_mem>>)
      %dma_wait3A_117 = arith.constant 0 : i32
      %dma_wait3A_118 = tpu.memref_slice %arg6[%add3A, %dma_wait3A_117] : memref<32x1008xf32, #tpu.memory_space<hbm>> -> memref<1x1008xf32, #tpu.memory_space<hbm>>
      %dma_wait3A_119 = tpu.memref_squeeze %dma_wait3A_118 : memref<1x1008xf32, #tpu.memory_space<hbm>> -> memref<1008xf32, #tpu.memory_space<hbm>>
      %dma_wait3A_120 = arith.constant 0 : i32
      %dma_wait3A_121 = tpu.memref_slice %arg6[%add3A, %dma_wait3A_120] : memref<32x1008xf32, #tpu.memory_space<hbm>> -> memref<1x1008xf32, #tpu.memory_space<hbm>>
      %dma_wait3A_122 = tpu.memref_squeeze %dma_wait3A_121 : memref<1x1008xf32, #tpu.memory_space<hbm>> -> memref<1008xf32, #tpu.memory_space<hbm>>
      tpu.wait_dma2 semaphore(%run_scoped3A : memref<!tpu.dma_semaphore, #tpu.memory_space<semaphore_mem>>) src(%arg12 : memref<1008xf32, #tpu.memory_space<vmem>>) dst(%dma_wait3A_122 : memref<1008xf32, #tpu.memory_space<hbm>>)
      tpu.yield
    }) : () -> ()
    %dma_start3A = arith.constant 0 : i32
    %dma_start3A_18 = tpu.memref_slice %arg8[%dma_start3A] : memref<1600xi32, #tpu.memory_space<vmem>> -> memref<40xi32, #tpu.memory_space<vmem>>
    %dma_start3A_19 = arith.constant 0 : i32
    %dma_start3A_20 = arith.constant 0 : i32
    %dma_start3A_21 = tpu.memref_slice %arg4[%dma_start3A_19, %dma_start3A_20] : memref<1000x1000xf32, #tpu.memory_space<hbm>> -> memref<1000x1000xf32, #tpu.memory_space<hbm>>
    tpu.enqueue_indirect_dma source(%dma_start3A_21 : memref<1000x1000xf32, #tpu.memory_space<hbm>>) target(%arg10 : memref<40x1000xf32, #tpu.memory_space<vmem>>) offsets(%dma_start3A_18 : memref<40xi32, #tpu.memory_space<vmem>>) semaphore(%arg14 : memref<!tpu.dma_semaphore, #tpu.memory_space<semaphore_mem>>)
    %dma_start3A_22 = arith.constant 40 : i32
    %dma_start3A_23 = tpu.memref_slice %arg8[%dma_start3A_22] : memref<1600xi32, #tpu.memory_space<vmem>> -> memref<40xi32, #tpu.memory_space<vmem>>
    %dma_start3A_24 = arith.constant 0 : i32
    %dma_start3A_25 = arith.constant 0 : i32
    %dma_start3A_26 = tpu.memref_slice %arg4[%dma_start3A_24, %dma_start3A_25] : memref<1000x1000xf32, #tpu.memory_space<hbm>> -> memref<1000x1000xf32, #tpu.memory_space<hbm>>
    tpu.enqueue_indirect_dma source(%dma_start3A_26 : memref<1000x1000xf32, #tpu.memory_space<hbm>>) target(%arg11 : memref<40x1000xf32, #tpu.memory_space<vmem>>) offsets(%dma_start3A_23 : memref<40xi32, #tpu.memory_space<vmem>>) semaphore(%arg15 : memref<!tpu.dma_semaphore, #tpu.memory_space<semaphore_mem>>)
    %dma_wait3A = arith.constant 0 : i32
    %dma_wait3A_27 = tpu.memref_slice %arg8[%dma_wait3A] : memref<1600xi32, #tpu.memory_space<vmem>> -> memref<40xi32, #tpu.memory_space<vmem>>
    %dma_wait3A_28 = arith.constant 0 : i32
    %dma_wait3A_29 = arith.constant 0 : i32
    %dma_wait3A_30 = tpu.memref_slice %arg4[%dma_wait3A_28, %dma_wait3A_29] : memref<1000x1000xf32, #tpu.memory_space<hbm>> -> memref<1000x1000xf32, #tpu.memory_space<hbm>>
    tpu.wait_indirect_dma semaphore(%arg14 : memref<!tpu.dma_semaphore, #tpu.memory_space<semaphore_mem>>) src(%dma_wait3A_30 : memref<1000x1000xf32, #tpu.memory_space<hbm>>) dst(%arg10 : memref<40x1000xf32, #tpu.memory_space<vmem>>)
    %add3A_31 = arith.constant 0 : i32
    %add3A_32 = arith.addi %mul3A_2, %add3A_31 : i32
    %dma_start3A_33 = arith.constant 0 : i32
    %dma_start3A_34 = tpu.memref_slice %arg5[%add3A_32, %dma_start3A_33] : memref<51200x1000xf32, #tpu.memory_space<hbm>> -> memref<40x1000xf32, #tpu.memory_space<hbm>>
    %dma_start3A_35 = arith.constant 0 : i32
    %dma_start3A_36 = tpu.memref_slice %arg5[%add3A_32, %dma_start3A_35] : memref<51200x1000xf32, #tpu.memory_space<hbm>> -> memref<40x1000xf32, #tpu.memory_space<hbm>>
    tpu.enqueue_dma source(%arg10 : memref<40x1000xf32, #tpu.memory_space<vmem>>) target(%dma_start3A_36 : memref<40x1000xf32, #tpu.memory_space<hbm>>) target_semaphore(%arg16 : memref<!tpu.dma_semaphore, #tpu.memory_space<semaphore_mem>>)
    %iota3A = tpu.iota {dimensions = array<i32: 0>} : vector<16xi32>
    %add3A_37 = arith.constant 0 : i32
    %add3A_38 = vector.broadcast %add3A_37 : i32 to vector<16xi32>
    %add3A_39 = arith.addi %iota3A, %add3A_38 : vector<16xi32>
    %get3A = arith.constant 0 : index
    %get3A_40 = tpu.vector_load %arg9[%get3A] {strides = array<i32>} : memref<1600xi32, #tpu.memory_space<vmem>>, vector<16xi32>,
    %get3A_41 = arith.constant 0 : index
    %get3A_42 = tpu.vector_load %arg13[%get3A_41] {strides = array<i32>} : memref<16xf32, #tpu.memory_space<vmem>>, vector<16xf32>,
    %gather3A = tpu.vector_load_idx %arg10[%add3A_39, %get3A_40] : memref<40x1000xf32, #tpu.memory_space<vmem>>[vector<16xi32>, vector<16xi32>], vector<16xf32>,
    %add3A_43 = arith.addf %get3A_42, %gather3A : vector<16xf32>
    %swap3A_44 = arith.constant 0 : index
    %swap3A_45 = tpu.vector_load %arg13[%swap3A_44] {strides = array<i32>} : memref<16xf32, #tpu.memory_space<vmem>>, vector<16xf32>,
    tpu.vector_store %arg13[%swap3A_44], %add3A_43 {strides = array<i32>} : memref<16xf32, #tpu.memory_space<vmem>>, vector<16xf32>,
    %iota3A_46 = tpu.iota {dimensions = array<i32: 0>} : vector<16xi32>
    %add3A_47 = arith.constant 16 : i32
    %add3A_48 = vector.broadcast %add3A_47 : i32 to vector<16xi32>
    %add3A_49 = arith.addi %iota3A_46, %add3A_48 : vector<16xi32>
    %get3A_50 = arith.constant 16 : index
    %get3A_51 = tpu.vector_load %arg9[%get3A_50] {strides = array<i32>} : memref<1600xi32, #tpu.memory_space<vmem>>, vector<16xi32>,
    %get3A_52 = arith.constant 0 : index
    %get3A_53 = tpu.vector_load %arg13[%get3A_52] {strides = array<i32>} : memref<16xf32, #tpu.memory_space<vmem>>, vector<16xf32>,
    %gather3A_54 = tpu.vector_load_idx %arg10[%add3A_49, %get3A_51] : memref<40x1000xf32, #tpu.memory_space<vmem>>[vector<16xi32>, vector<16xi32>], vector<16xf32>,
    %add3A_55 = arith.addf %get3A_53, %gather3A_54 : vector<16xf32>
    %swap3A_56 = arith.constant 0 : index
    %swap3A_57 = tpu.vector_load %arg13[%swap3A_56] {strides = array<i32>} : memref<16xf32, #tpu.memory_space<vmem>>, vector<16xf32>,
    tpu.vector_store %arg13[%swap3A_56], %add3A_55 {strides = array<i32>} : memref<16xf32, #tpu.memory_space<vmem>>, vector<16xf32>,
    %scan3A_58 = arith.constant 0 : i32
    %scan3A_59 = arith.constant 1 : i32
    %scan3A_60 = arith.constant 19 : i32
    %scan3A_61 = arith.addi %scan3A_59, %scan3A_60 : i32
    %scan3A_62 = arith.constant 1 : i32
    scf.for %scan3A_111 = %scan3A_59 to %scan3A_61 step %scan3A_62  : i32 {
      %mul3A_112 = arith.constant 2 : i32
      %mul3A_113 = arith.muli %mul3A_112, %scan3A_111 : i32
      %sub3A = arith.constant 1 : i32
      %sub3A_114 = arith.subi %mul3A_113, %sub3A : i32
      %sub3A_115 = arith.constant 1 : i32
      %sub3A_116 = arith.subi %sub3A_114, %sub3A_115 : i32
      %mul3A_117 = arith.constant 40 : i32
      %mul3A_118 = arith.muli %sub3A_116, %mul3A_117 : i32
      %add3A_119 = arith.addi %mul3A_2, %mul3A_118 : i32
      %dma_wait3A_120 = arith.constant 0 : i32
      %dma_wait3A_121 = tpu.memref_slice %arg5[%add3A_119, %dma_wait3A_120] : memref<51200x1000xf32, #tpu.memory_space<hbm>> -> memref<40x1000xf32, #tpu.memory_space<hbm>>
      %dma_wait3A_122 = arith.constant 0 : i32
      %dma_wait3A_123 = tpu.memref_slice %arg5[%add3A_119, %dma_wait3A_122] : memref<51200x1000xf32, #tpu.memory_space<hbm>> -> memref<40x1000xf32, #tpu.memory_space<hbm>>
      tpu.wait_dma2 semaphore(%arg16 : memref<!tpu.dma_semaphore, #tpu.memory_space<semaphore_mem>>) src(%arg10 : memref<40x1000xf32, #tpu.memory_space<vmem>>) dst(%dma_wait3A_123 : memref<40x1000xf32, #tpu.memory_space<hbm>>)
      %add3A_124 = arith.constant 1 : i32
      %add3A_125 = arith.addi %sub3A_114, %add3A_124 : i32
      %mul3A_126 = arith.constant 40 : i32
      %mul3A_127 = arith.muli %add3A_125, %mul3A_126 : i32
      %dma_start3A_128 = tpu.memref_slice %arg8[%mul3A_127] : memref<1600xi32, #tpu.memory_space<vmem>> -> memref<40xi32, #tpu.memory_space<vmem>>
      %dma_start3A_129 = arith.constant 0 : i32
      %dma_start3A_130 = arith.constant 0 : i32
      %dma_start3A_131 = tpu.memref_slice %arg4[%dma_start3A_129, %dma_start3A_130] : memref<1000x1000xf32, #tpu.memory_space<hbm>> -> memref<1000x1000xf32, #tpu.memory_space<hbm>>
      tpu.enqueue_indirect_dma source(%dma_start3A_131 : memref<1000x1000xf32, #tpu.memory_space<hbm>>) target(%arg10 : memref<40x1000xf32, #tpu.memory_space<vmem>>) offsets(%dma_start3A_128 : memref<40xi32, #tpu.memory_space<vmem>>) semaphore(%arg14 : memref<!tpu.dma_semaphore, #tpu.memory_space<semaphore_mem>>)
      %mul3A_132 = arith.constant 40 : i32
      %mul3A_133 = arith.muli %sub3A_114, %mul3A_132 : i32
      %dma_wait3A_134 = tpu.memref_slice %arg8[%mul3A_133] : memref<1600xi32, #tpu.memory_space<vmem>> -> memref<40xi32, #tpu.memory_space<vmem>>
      %dma_wait3A_135 = arith.constant 0 : i32
      %dma_wait3A_136 = arith.constant 0 : i32
      %dma_wait3A_137 = tpu.memref_slice %arg4[%dma_wait3A_135, %dma_wait3A_136] : memref<1000x1000xf32, #tpu.memory_space<hbm>> -> memref<1000x1000xf32, #tpu.memory_space<hbm>>
      tpu.wait_indirect_dma semaphore(%arg15 : memref<!tpu.dma_semaphore, #tpu.memory_space<semaphore_mem>>) src(%dma_wait3A_137 : memref<1000x1000xf32, #tpu.memory_space<hbm>>) dst(%arg11 : memref<40x1000xf32, #tpu.memory_space<vmem>>)
      %mul3A_138 = arith.constant 40 : i32
      %mul3A_139 = arith.muli %sub3A_114, %mul3A_138 : i32
      %add3A_140 = arith.addi %mul3A_2, %mul3A_139 : i32
      %dma_start3A_141 = arith.constant 0 : i32
      %dma_start3A_142 = tpu.memref_slice %arg5[%add3A_140, %dma_start3A_141] : memref<51200x1000xf32, #tpu.memory_space<hbm>> -> memref<40x1000xf32, #tpu.memory_space<hbm>>
      %dma_start3A_143 = arith.constant 0 : i32
      %dma_start3A_144 = tpu.memref_slice %arg5[%add3A_140, %dma_start3A_143] : memref<51200x1000xf32, #tpu.memory_space<hbm>> -> memref<40x1000xf32, #tpu.memory_space<hbm>>
      tpu.enqueue_dma source(%arg11 : memref<40x1000xf32, #tpu.memory_space<vmem>>) target(%dma_start3A_144 : memref<40x1000xf32, #tpu.memory_space<hbm>>) target_semaphore(%arg17 : memref<!tpu.dma_semaphore, #tpu.memory_space<semaphore_mem>>)
      %iota3A_145 = tpu.iota {dimensions = array<i32: 0>} : vector<16xi32>
      %add3A_146 = arith.constant 0 : i32
      %add3A_147 = vector.broadcast %add3A_146 : i32 to vector<16xi32>
      %add3A_148 = arith.addi %iota3A_145, %add3A_147 : vector<16xi32>
      %mul3A_149 = arith.constant 40 : i32
      %mul3A_150 = arith.muli %sub3A_114, %mul3A_149 : i32
      %add3A_151 = arith.constant 0 : i32
      %add3A_152 = arith.addi %mul3A_150, %add3A_151 : i32
      %get3A_153 = arith.index_cast %add3A_152 : i32 to index
      %get3A_154 = tpu.vector_load %arg9[%get3A_153] {strides = array<i32>} : memref<1600xi32, #tpu.memory_space<vmem>>, vector<16xi32>,
      %get3A_155 = arith.constant 0 : index
      %get3A_156 = tpu.vector_load %arg13[%get3A_155] {strides = array<i32>} : memref<16xf32, #tpu.memory_space<vmem>>, vector<16xf32>,
      %gather3A_157 = tpu.vector_load_idx %arg11[%add3A_148, %get3A_154] : memref<40x1000xf32, #tpu.memory_space<vmem>>[vector<16xi32>, vector<16xi32>], vector<16xf32>,
      %add3A_158 = arith.addf %get3A_156, %gather3A_157 : vector<16xf32>
      %swap3A_159 = arith.constant 0 : index
      %swap3A_160 = tpu.vector_load %arg13[%swap3A_159] {strides = array<i32>} : memref<16xf32, #tpu.memory_space<vmem>>, vector<16xf32>,
      tpu.vector_store %arg13[%swap3A_159], %add3A_158 {strides = array<i32>} : memref<16xf32, #tpu.memory_space<vmem>>, vector<16xf32>,
      %iota3A_161 = tpu.iota {dimensions = array<i32: 0>} : vector<16xi32>
      %add3A_162 = arith.constant 16 : i32
      %add3A_163 = vector.broadcast %add3A_162 : i32 to vector<16xi32>
      %add3A_164 = arith.addi %iota3A_161, %add3A_163 : vector<16xi32>
      %mul3A_165 = arith.constant 40 : i32
      %mul3A_166 = arith.muli %sub3A_114, %mul3A_165 : i32
      %add3A_167 = arith.constant 16 : i32
      %add3A_168 = arith.addi %mul3A_166, %add3A_167 : i32
      %get3A_169 = arith.index_cast %add3A_168 : i32 to index
      %get3A_170 = tpu.vector_load %arg9[%get3A_169] {strides = array<i32>} : memref<1600xi32, #tpu.memory_space<vmem>>, vector<16xi32>,
      %get3A_171 = arith.constant 0 : index
      %get3A_172 = tpu.vector_load %arg13[%get3A_171] {strides = array<i32>} : memref<16xf32, #tpu.memory_space<vmem>>, vector<16xf32>,
      %gather3A_173 = tpu.vector_load_idx %arg11[%add3A_164, %get3A_170] : memref<40x1000xf32, #tpu.memory_space<vmem>>[vector<16xi32>, vector<16xi32>], vector<16xf32>,
      %add3A_174 = arith.addf %get3A_172, %gather3A_173 : vector<16xf32>
      %swap3A_175 = arith.constant 0 : index
      %swap3A_176 = tpu.vector_load %arg13[%swap3A_175] {strides = array<i32>} : memref<16xf32, #tpu.memory_space<vmem>>, vector<16xf32>,
      tpu.vector_store %arg13[%swap3A_175], %add3A_174 {strides = array<i32>} : memref<16xf32, #tpu.memory_space<vmem>>, vector<16xf32>,
      %add3A_177 = arith.constant 1 : i32
      %add3A_178 = arith.addi %sub3A_114, %add3A_177 : i32
      %sub3A_179 = arith.constant 1 : i32
      %sub3A_180 = arith.subi %add3A_178, %sub3A_179 : i32
      %mul3A_181 = arith.constant 40 : i32
      %mul3A_182 = arith.muli %sub3A_180, %mul3A_181 : i32
      %add3A_183 = arith.addi %mul3A_2, %mul3A_182 : i32
      %dma_wait3A_184 = arith.constant 0 : i32
      %dma_wait3A_185 = tpu.memref_slice %arg5[%add3A_183, %dma_wait3A_184] : memref<51200x1000xf32, #tpu.memory_space<hbm>> -> memref<40x1000xf32, #tpu.memory_space<hbm>>
      %dma_wait3A_186 = arith.constant 0 : i32
      %dma_wait3A_187 = tpu.memref_slice %arg5[%add3A_183, %dma_wait3A_186] : memref<51200x1000xf32, #tpu.memory_space<hbm>> -> memref<40x1000xf32, #tpu.memory_space<hbm>>
      tpu.wait_dma2 semaphore(%arg17 : memref<!tpu.dma_semaphore, #tpu.memory_space<semaphore_mem>>) src(%arg11 : memref<40x1000xf32, #tpu.memory_space<vmem>>) dst(%dma_wait3A_187 : memref<40x1000xf32, #tpu.memory_space<hbm>>)
      %add3A_188 = arith.constant 1 : i32
      %add3A_189 = arith.addi %add3A_178, %add3A_188 : i32
      %mul3A_190 = arith.constant 40 : i32
      %mul3A_191 = arith.muli %add3A_189, %mul3A_190 : i32
      %dma_start3A_192 = tpu.memref_slice %arg8[%mul3A_191] : memref<1600xi32, #tpu.memory_space<vmem>> -> memref<40xi32, #tpu.memory_space<vmem>>
      %dma_start3A_193 = arith.constant 0 : i32
      %dma_start3A_194 = arith.constant 0 : i32
      %dma_start3A_195 = tpu.memref_slice %arg4[%dma_start3A_193, %dma_start3A_194] : memref<1000x1000xf32, #tpu.memory_space<hbm>> -> memref<1000x1000xf32, #tpu.memory_space<hbm>>
      tpu.enqueue_indirect_dma source(%dma_start3A_195 : memref<1000x1000xf32, #tpu.memory_space<hbm>>) target(%arg11 : memref<40x1000xf32, #tpu.memory_space<vmem>>) offsets(%dma_start3A_192 : memref<40xi32, #tpu.memory_space<vmem>>) semaphore(%arg15 : memref<!tpu.dma_semaphore, #tpu.memory_space<semaphore_mem>>)
      %mul3A_196 = arith.constant 40 : i32
      %mul3A_197 = arith.muli %add3A_178, %mul3A_196 : i32
      %dma_wait3A_198 = tpu.memref_slice %arg8[%mul3A_197] : memref<1600xi32, #tpu.memory_space<vmem>> -> memref<40xi32, #tpu.memory_space<vmem>>
      %dma_wait3A_199 = arith.constant 0 : i32
      %dma_wait3A_200 = arith.constant 0 : i32
      %dma_wait3A_201 = tpu.memref_slice %arg4[%dma_wait3A_199, %dma_wait3A_200] : memref<1000x1000xf32, #tpu.memory_space<hbm>> -> memref<1000x1000xf32, #tpu.memory_space<hbm>>
      tpu.wait_indirect_dma semaphore(%arg14 : memref<!tpu.dma_semaphore, #tpu.memory_space<semaphore_mem>>) src(%dma_wait3A_201 : memref<1000x1000xf32, #tpu.memory_space<hbm>>) dst(%arg10 : memref<40x1000xf32, #tpu.memory_space<vmem>>)
      %mul3A_202 = arith.constant 40 : i32
      %mul3A_203 = arith.muli %add3A_178, %mul3A_202 : i32
      %add3A_204 = arith.addi %mul3A_2, %mul3A_203 : i32
      %dma_start3A_205 = arith.constant 0 : i32
      %dma_start3A_206 = tpu.memref_slice %arg5[%add3A_204, %dma_start3A_205] : memref<51200x1000xf32, #tpu.memory_space<hbm>> -> memref<40x1000xf32, #tpu.memory_space<hbm>>
      %dma_start3A_207 = arith.constant 0 : i32
      %dma_start3A_208 = tpu.memref_slice %arg5[%add3A_204, %dma_start3A_207] : memref<51200x1000xf32, #tpu.memory_space<hbm>> -> memref<40x1000xf32, #tpu.memory_space<hbm>>
      tpu.enqueue_dma source(%arg10 : memref<40x1000xf32, #tpu.memory_space<vmem>>) target(%dma_start3A_208 : memref<40x1000xf32, #tpu.memory_space<hbm>>) target_semaphore(%arg16 : memref<!tpu.dma_semaphore, #tpu.memory_space<semaphore_mem>>)
      %iota3A_209 = tpu.iota {dimensions = array<i32: 0>} : vector<16xi32>
      %add3A_210 = arith.constant 0 : i32
      %add3A_211 = vector.broadcast %add3A_210 : i32 to vector<16xi32>
      %add3A_212 = arith.addi %iota3A_209, %add3A_211 : vector<16xi32>
      %mul3A_213 = arith.constant 40 : i32
      %mul3A_214 = arith.muli %add3A_178, %mul3A_213 : i32
      %add3A_215 = arith.constant 0 : i32
      %add3A_216 = arith.addi %mul3A_214, %add3A_215 : i32
      %get3A_217 = arith.index_cast %add3A_216 : i32 to index
      %get3A_218 = tpu.vector_load %arg9[%get3A_217] {strides = array<i32>} : memref<1600xi32, #tpu.memory_space<vmem>>, vector<16xi32>,
      %get3A_219 = arith.constant 0 : index
      %get3A_220 = tpu.vector_load %arg13[%get3A_219] {strides = array<i32>} : memref<16xf32, #tpu.memory_space<vmem>>, vector<16xf32>,
      %gather3A_221 = tpu.vector_load_idx %arg10[%add3A_212, %get3A_218] : memref<40x1000xf32, #tpu.memory_space<vmem>>[vector<16xi32>, vector<16xi32>], vector<16xf32>,
      %add3A_222 = arith.addf %get3A_220, %gather3A_221 : vector<16xf32>
      %swap3A_223 = arith.constant 0 : index
      %swap3A_224 = tpu.vector_load %arg13[%swap3A_223] {strides = array<i32>} : memref<16xf32, #tpu.memory_space<vmem>>, vector<16xf32>,
      tpu.vector_store %arg13[%swap3A_223], %add3A_222 {strides = array<i32>} : memref<16xf32, #tpu.memory_space<vmem>>, vector<16xf32>,
      %iota3A_225 = tpu.iota {dimensions = array<i32: 0>} : vector<16xi32>
      %add3A_226 = arith.constant 16 : i32
      %add3A_227 = vector.broadcast %add3A_226 : i32 to vector<16xi32>
      %add3A_228 = arith.addi %iota3A_225, %add3A_227 : vector<16xi32>
      %mul3A_229 = arith.constant 40 : i32
      %mul3A_230 = arith.muli %add3A_178, %mul3A_229 : i32
      %add3A_231 = arith.constant 16 : i32
      %add3A_232 = arith.addi %mul3A_230, %add3A_231 : i32
      %get3A_233 = arith.index_cast %add3A_232 : i32 to index
      %get3A_234 = tpu.vector_load %arg9[%get3A_233] {strides = array<i32>} : memref<1600xi32, #tpu.memory_space<vmem>>, vector<16xi32>,
      %get3A_235 = arith.constant 0 : index
      %get3A_236 = tpu.vector_load %arg13[%get3A_235] {strides = array<i32>} : memref<16xf32, #tpu.memory_space<vmem>>, vector<16xf32>,
      %gather3A_237 = tpu.vector_load_idx %arg10[%add3A_228, %get3A_234] : memref<40x1000xf32, #tpu.memory_space<vmem>>[vector<16xi32>, vector<16xi32>], vector<16xf32>,
      %add3A_238 = arith.addf %get3A_236, %gather3A_237 : vector<16xf32>
      %swap3A_239 = arith.constant 0 : index
      %swap3A_240 = tpu.vector_load %arg13[%swap3A_239] {strides = array<i32>} : memref<16xf32, #tpu.memory_space<vmem>>, vector<16xf32>,
      tpu.vector_store %arg13[%swap3A_239], %add3A_238 {strides = array<i32>} : memref<16xf32, #tpu.memory_space<vmem>>, vector<16xf32>,
    }
    %scan3A_63 = arith.constant 19 : i32
    %add3A_64 = arith.constant 1520 : i32
    %add3A_65 = arith.addi %mul3A_2, %add3A_64 : i32
    %dma_wait3A_66 = arith.constant 0 : i32
    %dma_wait3A_67 = tpu.memref_slice %arg5[%add3A_65, %dma_wait3A_66] : memref<51200x1000xf32, #tpu.memory_space<hbm>> -> memref<40x1000xf32, #tpu.memory_space<hbm>>
    %dma_wait3A_68 = arith.constant 0 : i32
    %dma_wait3A_69 = tpu.memref_slice %arg5[%add3A_65, %dma_wait3A_68] : memref<51200x1000xf32, #tpu.memory_space<hbm>> -> memref<40x1000xf32, #tpu.memory_space<hbm>>
    tpu.wait_dma2 semaphore(%arg16 : memref<!tpu.dma_semaphore, #tpu.memory_space<semaphore_mem>>) src(%arg10 : memref<40x1000xf32, #tpu.memory_space<vmem>>) dst(%dma_wait3A_69 : memref<40x1000xf32, #tpu.memory_space<hbm>>)
    %dma_wait3A_70 = arith.constant 1560 : i32
    %dma_wait3A_71 = tpu.memref_slice %arg8[%dma_wait3A_70] : memref<1600xi32, #tpu.memory_space<vmem>> -> memref<40xi32, #tpu.memory_space<vmem>>
    %dma_wait3A_72 = arith.constant 0 : i32
    %dma_wait3A_73 = arith.constant 0 : i32
    %dma_wait3A_74 = tpu.memref_slice %arg4[%dma_wait3A_72, %dma_wait3A_73] : memref<1000x1000xf32, #tpu.memory_space<hbm>> -> memref<1000x1000xf32, #tpu.memory_space<hbm>>
    tpu.wait_indirect_dma semaphore(%arg15 : memref<!tpu.dma_semaphore, #tpu.memory_space<semaphore_mem>>) src(%dma_wait3A_74 : memref<1000x1000xf32, #tpu.memory_space<hbm>>) dst(%arg11 : memref<40x1000xf32, #tpu.memory_space<vmem>>)
    %add3A_75 = arith.constant 1560 : i32
    %add3A_76 = arith.addi %mul3A_2, %add3A_75 : i32
    %dma_start3A_77 = arith.constant 0 : i32
    %dma_start3A_78 = tpu.memref_slice %arg5[%add3A_76, %dma_start3A_77] : memref<51200x1000xf32, #tpu.memory_space<hbm>> -> memref<40x1000xf32, #tpu.memory_space<hbm>>
    %dma_start3A_79 = arith.constant 0 : i32
    %dma_start3A_80 = tpu.memref_slice %arg5[%add3A_76, %dma_start3A_79] : memref<51200x1000xf32, #tpu.memory_space<hbm>> -> memref<40x1000xf32, #tpu.memory_space<hbm>>
    tpu.enqueue_dma source(%arg11 : memref<40x1000xf32, #tpu.memory_space<vmem>>) target(%dma_start3A_80 : memref<40x1000xf32, #tpu.memory_space<hbm>>) target_semaphore(%arg17 : memref<!tpu.dma_semaphore, #tpu.memory_space<semaphore_mem>>)
    %iota3A_81 = tpu.iota {dimensions = array<i32: 0>} : vector<16xi32>
    %add3A_82 = arith.constant 0 : i32
    %add3A_83 = vector.broadcast %add3A_82 : i32 to vector<16xi32>
    %add3A_84 = arith.addi %iota3A_81, %add3A_83 : vector<16xi32>
    %get3A_85 = arith.constant 1560 : index
    %get3A_86 = tpu.vector_load %arg9[%get3A_85] {strides = array<i32>} : memref<1600xi32, #tpu.memory_space<vmem>>, vector<16xi32>,
    %get3A_87 = arith.constant 0 : index
    %get3A_88 = tpu.vector_load %arg13[%get3A_87] {strides = array<i32>} : memref<16xf32, #tpu.memory_space<vmem>>, vector<16xf32>,
    %gather3A_89 = tpu.vector_load_idx %arg11[%add3A_84, %get3A_86] : memref<40x1000xf32, #tpu.memory_space<vmem>>[vector<16xi32>, vector<16xi32>], vector<16xf32>,
    %add3A_90 = arith.addf %get3A_88, %gather3A_89 : vector<16xf32>
    %swap3A_91 = arith.constant 0 : index
    %swap3A_92 = tpu.vector_load %arg13[%swap3A_91] {strides = array<i32>} : memref<16xf32, #tpu.memory_space<vmem>>, vector<16xf32>,
    tpu.vector_store %arg13[%swap3A_91], %add3A_90 {strides = array<i32>} : memref<16xf32, #tpu.memory_space<vmem>>, vector<16xf32>,
    %iota3A_93 = tpu.iota {dimensions = array<i32: 0>} : vector<16xi32>
    %add3A_94 = arith.constant 16 : i32
    %add3A_95 = vector.broadcast %add3A_94 : i32 to vector<16xi32>
    %add3A_96 = arith.addi %iota3A_93, %add3A_95 : vector<16xi32>
    %get3A_97 = arith.constant 1576 : index
    %get3A_98 = tpu.vector_load %arg9[%get3A_97] {strides = array<i32>} : memref<1600xi32, #tpu.memory_space<vmem>>, vector<16xi32>,
    %get3A_99 = arith.constant 0 : index
    %get3A_100 = tpu.vector_load %arg13[%get3A_99] {strides = array<i32>} : memref<16xf32, #tpu.memory_space<vmem>>, vector<16xf32>,
    %gather3A_101 = tpu.vector_load_idx %arg11[%add3A_96, %get3A_98] : memref<40x1000xf32, #tpu.memory_space<vmem>>[vector<16xi32>, vector<16xi32>], vector<16xf32>,
    %add3A_102 = arith.addf %get3A_100, %gather3A_101 : vector<16xf32>
    %swap3A_103 = arith.constant 0 : index
    %swap3A_104 = tpu.vector_load %arg13[%swap3A_103] {strides = array<i32>} : memref<16xf32, #tpu.memory_space<vmem>>, vector<16xf32>,
    tpu.vector_store %arg13[%swap3A_103], %add3A_102 {strides = array<i32>} : memref<16xf32, #tpu.memory_space<vmem>>, vector<16xf32>,
    %add3A_105 = arith.constant 1560 : i32
    %add3A_106 = arith.addi %mul3A_2, %add3A_105 : i32
    %dma_wait3A_107 = arith.constant 0 : i32
    %dma_wait3A_108 = tpu.memref_slice %arg5[%add3A_106, %dma_wait3A_107] : memref<51200x1000xf32, #tpu.memory_space<hbm>> -> memref<40x1000xf32, #tpu.memory_space<hbm>>
    %dma_wait3A_109 = arith.constant 0 : i32
    %dma_wait3A_110 = tpu.memref_slice %arg5[%add3A_106, %dma_wait3A_109] : memref<51200x1000xf32, #tpu.memory_space<hbm>> -> memref<40x1000xf32, #tpu.memory_space<hbm>>
    tpu.wait_dma2 semaphore(%arg17 : memref<!tpu.dma_semaphore, #tpu.memory_space<semaphore_mem>>) src(%arg11 : memref<40x1000xf32, #tpu.memory_space<vmem>>) dst(%dma_wait3A_110 : memref<40x1000xf32, #tpu.memory_space<hbm>>)
    "tpu.region"() ({
      %run_scoped3A = tpu.sem_alloc : memref<!tpu.dma_semaphore, #tpu.memory_space<semaphore_mem>>
      %dma_start3A_111 = arith.constant 0 : i32
      %dma_start3A_112 = tpu.memref_slice %arg7[%add3A, %dma_start3A_111] : memref<32x16xf32, #tpu.memory_space<hbm>> -> memref<1x16xf32, #tpu.memory_space<hbm>>
      %dma_start3A_113 = tpu.memref_squeeze %dma_start3A_112 : memref<1x16xf32, #tpu.memory_space<hbm>> -> memref<16xf32, #tpu.memory_space<hbm>>
      %dma_start3A_114 = arith.constant 0 : i32
      %dma_start3A_115 = tpu.memref_slice %arg7[%add3A, %dma_start3A_114] : memref<32x16xf32, #tpu.memory_space<hbm>> -> memref<1x16xf32, #tpu.memory_space<hbm>>
      %dma_start3A_116 = tpu.memref_squeeze %dma_start3A_115 : memref<1x16xf32, #tpu.memory_space<hbm>> -> memref<16xf32, #tpu.memory_space<hbm>>
      tpu.enqueue_dma source(%arg13 : memref<16xf32, #tpu.memory_space<vmem>>) target(%dma_start3A_116 : memref<16xf32, #tpu.memory_space<hbm>>) target_semaphore(%run_scoped3A : memref<!tpu.dma_semaphore, #tpu.memory_space<semaphore_mem>>)
      %dma_wait3A_117 = arith.constant 0 : i32
      %dma_wait3A_118 = tpu.memref_slice %arg7[%add3A, %dma_wait3A_117] : memref<32x16xf32, #tpu.memory_space<hbm>> -> memref<1x16xf32, #tpu.memory_space<hbm>>
      %dma_wait3A_119 = tpu.memref_squeeze %dma_wait3A_118 : memref<1x16xf32, #tpu.memory_space<hbm>> -> memref<16xf32, #tpu.memory_space<hbm>>
      %dma_wait3A_120 = arith.constant 0 : i32
      %dma_wait3A_121 = tpu.memref_slice %arg7[%add3A, %dma_wait3A_120] : memref<32x16xf32, #tpu.memory_space<hbm>> -> memref<1x16xf32, #tpu.memory_space<hbm>>
      %dma_wait3A_122 = tpu.memref_squeeze %dma_wait3A_121 : memref<1x16xf32, #tpu.memory_space<hbm>> -> memref<16xf32, #tpu.memory_space<hbm>>
      tpu.wait_dma2 semaphore(%run_scoped3A : memref<!tpu.dma_semaphore, #tpu.memory_space<semaphore_mem>>) src(%arg13 : memref<16xf32, #tpu.memory_space<vmem>>) dst(%dma_wait3A_122 : memref<16xf32, #tpu.memory_space<hbm>>)
      tpu.yield
    }) : () -> ()
    return
  }
}

module attributes {stable_mosaic.version = 14 : i64} {
  func.func @_tc_body(%arg0: memref<1000x1000xf32, #tpu.memory_space<vmem>>, %arg1: memref<32x1008xf32, #tpu.memory_space<vmem>>, %arg2: memref<32x16xf32, #tpu.memory_space<vmem>>, %arg3: memref<1x1xf32, #tpu.memory_space<vmem>>) attributes {dimension_semantics = [], scalar_prefetch = 0 : i64, scratch_operands = 0 : i64, tpu.core_type = #tpu.core_type<tc>} {
    %get3A = arith.constant 0 : index
    %get3A_0 = arith.constant 0 : index
    %get3A_1 = vector.load %arg0[%get3A, %get3A_0] : memref<1000x1000xf32, #tpu.memory_space<vmem>>, vector<1000x1000xf32>
    %reduce_max3A = arith.constant dense<0xFF800000> : vector<1000xf32>
    %reduce_max3A_2 = vector.multi_reduction <maximumf>, %get3A_1, %reduce_max3A [1] : vector<1000x1000xf32> to vector<1000xf32>
    %broadcast_in_dim3A = vector.shape_cast %reduce_max3A_2 : vector<1000xf32> to vector<1000x1xf32>
    %sub3A = vector.broadcast %broadcast_in_dim3A : vector<1000x1xf32> to vector<1000x1000xf32>
    %sub3A_3 = arith.subf %get3A_1, %sub3A : vector<1000x1000xf32>
    %exp3A = math.exp %sub3A_3 : vector<1000x1000xf32>
    %reduce_sum3A = arith.constant dense<0.000000e+00> : vector<1000xf32>
    %reduce_sum3A_4 = vector.multi_reduction <add>, %exp3A, %reduce_sum3A [1] : vector<1000x1000xf32> to vector<1000xf32>
    %broadcast_in_dim3A_5 = vector.shape_cast %reduce_sum3A_4 : vector<1000xf32> to vector<1000x1xf32>
    %log3A = math.log %broadcast_in_dim3A_5 : vector<1000x1xf32>
    %add3A = arith.addf %broadcast_in_dim3A, %log3A : vector<1000x1xf32>
    %get3A_6 = arith.constant 0 : index
    %get3A_7 = arith.constant 0 : index
    %get3A_8 = vector.load %arg1[%get3A_6, %get3A_7] : memref<32x1008xf32, #tpu.memory_space<vmem>>, vector<32x1008xf32>
    %reduce_sum3A_9 = arith.constant dense<0.000000e+00> : vector<1008xf32>
    %reduce_sum3A_10 = vector.multi_reduction <add>, %get3A_8, %reduce_sum3A_9 [0] : vector<32x1008xf32> to vector<1008xf32>
    %broadcast_in_dim3A_11 = vector.shape_cast %reduce_sum3A_10 : vector<1008xf32> to vector<1x1008xf32>
    %slice3A = vector.extract_strided_slice %broadcast_in_dim3A_11 {offsets = [0, 0], sizes = [1, 1000], strides = [1, 1]} : vector<1x1008xf32> to vector<1x1000xf32>
    %dot_general3A = arith.constant dense<0.000000e+00> : vector<1x1xf32>
    %dot_general3A_12 = tpu.matmul %slice3A, %add3A, %dot_general3A {dimension_numbers = #tpu.dot_dimension_numbers<[1], [0], [0], [1], [0, 0, 1, 1], [], []>, precision = #tpu.contract_precision<fp32>, transpose_lhs_hint = false} : vector<1x1000xf32>, vector<1000x1xf32>, vector<1x1xf32> -> vector<1x1xf32>
    %get3A_13 = arith.constant 0 : index
    %get3A_14 = arith.constant 0 : index
    %get3A_15 = vector.load %arg2[%get3A_13, %get3A_14] : memref<32x16xf32, #tpu.memory_space<vmem>>, vector<32x16xf32>
    %reduce_sum3A_16 = vector.shape_cast %get3A_15 : vector<32x16xf32> to vector<1x32x16xf32>
    %reduce_sum3A_17 = arith.constant dense<0.000000e+00> : vector<1xf32>
    %reduce_sum3A_18 = vector.multi_reduction <add>, %reduce_sum3A_16, %reduce_sum3A_17 [1, 2] : vector<1x32x16xf32> to vector<1xf32>
    %reduce_sum3A_19 = vector.shape_cast %reduce_sum3A_18 : vector<1xf32> to vector<1x1x1xf32>
    %reduce_sum3A_20 = vector.extract %reduce_sum3A_19[0, 0, 0] : f32 from vector<1x1x1xf32>
    %sub3A_21 = vector.broadcast %reduce_sum3A_20 : f32 to vector<1x1xf32>
    %sub3A_22 = arith.subf %dot_general3A_12, %sub3A_21 : vector<1x1xf32>
    %mul3A = arith.constant 1.95312496E-5 : f32
    %mul3A_23 = vector.broadcast %mul3A : f32 to vector<1x1xf32>
    %mul3A_24 = arith.mulf %sub3A_22, %mul3A_23 : vector<1x1xf32>
    %swap3A = arith.constant 0 : index
    %swap3A_25 = arith.constant 0 : index
    %swap3A_26 = vector.load %arg3[%swap3A, %swap3A_25] : memref<1x1xf32, #tpu.memory_space<vmem>>, vector<1x1xf32>
    tpu.vector_store %arg3[%swap3A, %swap3A_25], %mul3A_24 {strides = array<i32>} : memref<1x1xf32, #tpu.memory_space<vmem>>, vector<1x1xf32>,
    return
  }
}

</mosaic_0001>

<sc_bundles>
// kernel: kernel.4.cloned.1.call-start
scs
__scs_entry_jumppad:
0x0: {  	(pc) =	sbr.rel $0x88, $3  }
0x1: {  	(tag) =	ssettag $0x0;
	lr =	simm.s32 $0x1  }
0x2: {  	[smem:$0x3F9E] =	sst lr;
	_ =	strace $0xD0000000  }
0x3: {  	_ = 	snop  }
0x4: {  	_ = 	snop  }
0x5: {  	_ = 	snop  }
0x6: {  	_ = 	snop  }
0x7: {  	_ = 	snop  }
__scs_overlays_trampoline_lowered:
0x8: {  	[smem:$0x3FAD] =	sst s0  }
0x9: {  	[smem:$0x3FAE] =	sst s1  }
0xa: {  	[smem:$0x3FAF] =	sst s2  }
0xb: {  	[smem:$0x3FB0] =	sst s3  }
0xc: {  	[smem:$0x3FB1] =	sst s4  }
0xd: {  	[smem:$0x3FB2] =	sst s5  }
0xe: {  	[smem:$0x3FB3] =	sst s6  }
0xf: {  	[smem:$0x3FB4] =	sst s7  }
0x10: {  	[smem:$0x3FB5] =	sst s8  }
0x11: {  	[smem:$0x3FB6] =	sst s9;
	s0 =	simm.s32 @!p0 $0x0  }
0x12: {  	s1 =	sld [smem:$0x3F9C];
	s0 =	simm.s32 @p0 $0x1  }
0x13: {  	[smem:$0x3FB7] =	sst s0;
	s0 =	simm.s32 @!p1 $0x0  }
0x14: {  	s2 =	sld [smem:$0x3F9B];
	s0 =	simm.s32 @p1 $0x1  }
0x15: {  	[smem:$0x3FB8] =	sst s0;
	s0 =	simm.s32 @!p2 $0x0  }
0x16: {  	s3 =	sld [smem:$0x3FDB];
	s0 =	simm.s32 @p2 $0x1  }
0x17: {  	s4 =	simm.s32 $0x1BF5;
	[smem:$0x3FBA] =	sst s0  }
0x18: {  	s0 =	sld [smem:$0x3F9D];
	_ =	swait.ge [sflag:s4], $0x0  }
0x19: {  	s7 =	sld [smem:$0x3F9E]  }
0x1a: {  	s8 =	sadd.s32 $0xFFFFE003, lr  }
0x1b: {  	s9 =	sadd.s32 $0xFFFFFEF7, lr;
	s5 =	simm.s32 $0xFFFFFFFF;
	p2 =	slt.u32 s8, $0xFFFFF086  }
0x1c: {  	p1 =	slt.u32 s9, $0xF7A;
	s5 =	simm.s32 @!p2 $0x0  }
0x1d: {  	s5 =	simm.s32 @p1 $0x1;
	p0 =	seq.s32 s7, s2  }
0x1e: {  	s7 =	smul.u32 @!p0 $0xF7A, s2;
	p2 =	seq.s32 @!p0 s5, $0x0  }
0x1f: {  	s9 =	smul.u32 $0xF7A, s1;
	s8 =	simm.s32 @!p0 $0x1BF5;
	p2 =	por !p2, p0  }
0x20: {  	[sflag:s8] =	ssyncset.s32 @!p0 $0xFFFFF086;
	s6 =	sadd.s32 @!p0 s3, s7;
	s7 =	simm.s32 @!p0 $0x108  }
0x21: {  	s3 =	sadd.s32 s3, s9;
	s6 =	sadd.s32 @!p0 $0x88, s6;
	s7 =	simm.s32 @p2 $0x1082  }
0x22: {  	[simem:s7], [sflag:s8] =	dma.local @!p0 [hbm:s6], $0xF7A  }
0x23: {  	s9 =	sor.u32 $0xD0000000, s2;
	s6 =	simm.s32 $0x108;
	_ =	swait.ge @!p0 [sflag:s8], $0x0  }
0x24: {  	s3 =	sadd.s32 $0x88, s3;
	s6 =	simm.s32 @!p1 $0x1082;
	[sflag:s4] =	ssyncset.s32 $0xFFFFF086  }
0x25: {  	[simem:s6], [sflag:s4] =	dma.local [hbm:s3], $0xF7A  }
0x26: {  	[smem:$0x3F9E] =	sst s1;
	(tag) =	ssettag s2;
	_ =	strace s9  }
0x27: {  	s1 =	sld [smem:$0x3FAE]  }
0x28: {  	s2 =	sld [smem:$0x3FAF]  }
0x29: {  	s4 =	sld [smem:$0x3FB1]  }
0x2a: {  	p0 =	seq.s32 s5, $0x0;
	s5 =	sld [smem:$0x3FB2]  }
0x2b: {  	s6 =	sld [smem:$0x3FB3]  }
0x2c: {  	s7 =	sld [smem:$0x3FB4]  }
0x2d: {  	s3 =	simm.s32 $0x108;
	s8 =	sld [smem:$0x3FB5]  }
0x2e: {  	s3 =	simm.s32 @!p0 $0x1082;
	s9 =	sld [smem:$0x3FB6]  }
0x2f: {  	lr =	sadd.s32 s0, s3;
	s0 =	sld [smem:$0x3FAD]  }
0x30: {  	s3 =	sld [smem:$0x3FB0]  }
0x31: {  	[smem:$0x3FB9] =	sst s10  }
0x32: {  	s10 =	sld [smem:$0x3FB7];
	_ =	sdelay $0x3  }
0x33: {  	p0 =	seq.s32 s10, $0x1;
	s10 =	sld [smem:$0x3FB9];
	_ =	sdelay $0x3  }
0x34: {  	[smem:$0x3FB9] =	sst s10  }
0x35: {  	s10 =	sld [smem:$0x3FB8];
	_ =	sdelay $0x3  }
0x36: {  	p1 =	seq.s32 s10, $0x1;
	s10 =	sld [smem:$0x3FB9];
	_ =	sdelay $0x3  }
0x37: {  	[smem:$0x3FB9] =	sst s10  }
0x38: {  	s10 =	sld [smem:$0x3FBA]  }
0x39: {  	_ = 	snop;
	(pc) =	sbr.ind lr, $3  }
0x3a: {  	_ = 	snop  }
0x3b: {  	_ = 	snop  }
0x3c: {  	p2 =	seq.s32 s10, $0x1;
	s10 =	sld [smem:$0x3FB9]  }
0x3d: {  	_ =	shalt  }
0x3e: {  	_ =	shalt  }
0x3f: {  	_ =	shalt  }
0x40: {  	_ =	shalt  }
0x41: {  	_ =	shalt  }
0x42: {  	_ =	shalt  }
0x43: {  	_ =	shalt  }
0x44: {  	_ =	shalt  }
0x45: {  	_ =	shalt  }
0x46: {  	_ =	shalt  }
0x47: {  	_ =	shalt  }
0x48: {  	_ =	shalt  }
0x49: {  	_ =	shalt  }
0x4a: {  	_ =	shalt  }
0x4b: {  	_ =	shalt  }
0x4c: {  	_ =	shalt  }
0x4d: {  	_ =	shalt  }
0x4e: {  	_ =	shalt  }
0x4f: {  	_ =	shalt  }
0x50: {  	_ =	shalt  }
0x51: {  	_ =	shalt  }
0x52: {  	_ =	shalt  }
0x53: {  	_ =	shalt  }
0x54: {  	_ =	shalt  }
0x55: {  	_ =	shalt  }
0x56: {  	_ =	shalt  }
0x57: {  	_ =	shalt  }
0x58: {  	_ =	shalt  }
0x59: {  	_ =	shalt  }
0x5a: {  	_ =	shalt  }
0x5b: {  	_ =	shalt  }
0x5c: {  	_ =	shalt  }
0x5d: {  	_ =	shalt  }
0x5e: {  	_ =	shalt  }
0x5f: {  	_ =	shalt  }
0x60: {  	_ =	shalt  }
0x61: {  	_ =	shalt  }
0x62: {  	_ =	shalt  }
0x63: {  	_ =	shalt  }
0x64: {  	_ =	shalt  }
0x65: {  	_ =	shalt  }
0x66: {  	_ =	shalt  }
0x67: {  	_ =	shalt  }
0x68: {  	_ =	shalt  }
0x69: {  	_ =	shalt  }
0x6a: {  	_ =	shalt  }
0x6b: {  	_ =	shalt  }
0x6c: {  	_ =	shalt  }
0x6d: {  	_ =	shalt  }
0x6e: {  	_ =	shalt  }
0x6f: {  	_ =	shalt  }
0x70: {  	_ =	shalt  }
0x71: {  	_ =	shalt  }
0x72: {  	_ =	shalt  }
0x73: {  	_ =	shalt  }
0x74: {  	_ =	shalt  }
0x75: {  	_ =	shalt  }
0x76: {  	_ =	shalt  }
0x77: {  	_ =	shalt  }
0x78: {  	_ =	shalt  }
0x79: {  	_ =	shalt  }
0x7a: {  	_ =	shalt  }
0x7b: {  	_ =	shalt  }
0x7c: {  	_ =	shalt  }
0x7d: {  	_ =	shalt  }
0x7e: {  	_ =	shalt  }
0x7f: {  	_ =	shalt  }
0x80: {  	_ =	shalt  }
0x81: {  	_ =	shalt  }
0x82: {  	_ =	shalt  }
0x83: {  	_ =	shalt  }
0x84: {  	_ =	shalt  }
0x85: {  	_ =	shalt  }
0x86: {  	_ =	shalt  }
0x87: {  	_ =	shalt  }
.Lfunc_end0:
.L_simem_size_0:
called_computation.1_lowered:
.L_overlay_start_0:
0x88: {  	s2 =	sld [smem:$0x3FD9]  }
0x89: {  	s3 =	sld [smem:$0x3FFE];
	_ =	sdelay $0x1  }
0x8a: {  	s1 =	srdreg.scid  }
0x8b: {  	s0 =	sand.u32 $0x1, s1  }
0x8c: {  	s14 =	sshll.u32 s0, $0xA;
	s2 =	sadd.s32 s3, s2  }
0x8d: {  	s2 =	sadd.s32 s2, s14  }
0x8e: {  	[smem:$0x3FC5] =	sst s2  }
0x8f: {  	_ = 	snop  }
0x90: {  	s2 =	sld [smem:$0x3FD0];
	_ =	sdelay $0x2  }
0x91: {  	s15 =	simm.s32 $0xA;
	s4 =	simm.s32 $0x10  }
0x92: {  	[smem:s4], [sflag:s15] =	dma.local [hbm:s2], $0x1  }
0x93: {  	_ =	swait.eq [sflag:s15], $0x1  }
0x94: {  	[sflag:s15] =	ssyncset.done $0x0  }
0x95: {  	[sflag:s15] =	ssyncadd.s32 $0xFFFFFFFF  }
0x96: {  	s16 =	sld [smem:$0x10];
	(tm) =	ssettm $0x1  }
0x97: {  	s17 =	sld [smem:$0x3FFB];
	_ =	sdelay $0x3  }
0x98: {  	_ =	strace s17  }
0x99: {  	s3 =	sld [smem:$0x3FFC];
	_ =	sdelay $0x3  }
0x9a: {  	_ =	strace s3  }
0x9b: {  	s3 =	sld [smem:$0x3FFD];
	_ =	sdelay $0x3  }
0x9c: {  	_ =	strace s3  }
0x9d: {  	_ =	strace $0x8FFFFFFF  }
0x9e: {  	s18 =	sld [smem:$0x3FDB];
	_ =	sdelay $0x1  }
0x9f: {  	s19 =	simm.s32 $_scs_section_size  }
0xa0: {  	s5 =	simm.s32 $_size__tile_overlayer_lowered;
	s6 =	simm.s32 $_tile_overlayer_lowered  }
0xa1: {  	s22 =	simm.s32 $0x1BFF;
	s21 =	sshll.u32 s6, $0x1;
	s3 =	sadd.s32 s19, s18  }
0xa2: {  	s7 =	simm.s32 $0x0;
	s20 =	sshll.u32 s5, $0x1;
	s5 =	sadd.s32 s21, s3  }
0xa3: {  	[timem:s7], [sflag:s22] =	dma.local [hbm:s5], s20  }
0xa4: {  	_ =	swait.ge [sflag:s22], s20  }
0xa5: {  	s4 =	ssub.s32 $0x0, s20;
	[sflag:s22] =	ssyncset.done $0x0  }
0xa6: {  	[sflag:s22] =	ssyncadd.s32 s4;
	_ =	sdelay $0x1  }
0xa7: {  	s23 =	simm.s32 $0x1B8B  }
0xa8: {  	_ =	swait.ge [sflag:s23], $0x1  }
0xa9: {  	[sflag:s23] =	ssyncset.done $0x0  }
0xaa: {  	s25 =	simm.s32 $0x1B8E;
	s24 =	sld [smem:$0x3FFE];
	[sflag:s23] =	ssyncadd.s32 $0xFFFFFFFF  }
0xab: {  	s26 =	simm.s32 $execute0_lowered;
	[smem:$0x3FD2] =	sst s25  }
0xac: {  	s5 =	sshll.u32 s26, $0x1;
	_ =	strace $0x80000046;
	[dreg:$0x1] =	wrdreg $0xFFFFFFFF  }
0xad: {  	s28 =	simm.s32 $_size_execute0_lowered;
	s3 =	sadd.s32 s3, s5;
	[dreg:$0x0] =	wrdreg $0x0  }
0xae: {  	s5 =	sshll.u32 s28, $0x1;
	[dreg:$0x2] =	wrdreg s3  }
0xaf: {  	[dreg:$0x3] =	wrdreg s5  }
0xb0: {  	[dreg:$0x4] =	wrdreg $0xC0  }
0xb1: {  	_ =	task [dreg:s7], $0x5FFFF  }
0xb2: {  	[dreg:$0x1] =	wrdreg $0xFFFFFFFF  }
0xb3: {  	[dreg:$0x0] =	wrdreg $0x60  }
0xb4: {  	[dreg:$0x2] =	wrdreg s24  }
0xb5: {  	[dreg:$0x3] =	wrdreg s16  }
0xb6: {  	[dreg:$0x4] =	wrdreg $0x9  }
0xb7: {  	_ =	task.clear_ibuf [dreg:s7], $0x5FFFF;
	_ =	strace $0x90000046  }
0xb8: {  	s29 =	simm.s32 $0x9;
	_ =	strace $0x80000048  }
0xb9: {  	_ =	swait.ge [sflag:s29], $0x1  }
0xba: {  	[sflag:s29] =	ssyncadd.s32 $0xFFFFFFFF  }
0xbb: {  	_ =	strace $0x90000048  }
0xbc: {  	_ =	sfence  }
0xbd: {  	s30 =	sld [smem:$0x0];
	_ =	sdelay $0x2  }
0xbe: {  	s31 =	sshll.u32 s1, $0xD;
	s1 =	sshrl.u32 s1, $0x2  }
0xbf: {  	s3 =	sand.u32 $0x4000, s31;
	s1 =	sadd.s32 s1, s30  }
0xc0: {  	s0 =	sor.u32 s3, s0;
	s1 =	sshll.u32 s1, $0x11  }
0xc1: {  	s0 =	sor.u32 s1, s0  }
0xc2: {  	s0 =	sadd.s32 $0x8F2B, s0  }
0xc3: {  	[sflag:s0] =	ssyncadd.remote.s32 $0x1  }
0xc4: {  	_ =	sfence.sel $0xFFFF  }
0xc5: {  	[dreg:$0x0] =	wrdreg $0xFFFFFFFF;
	(pc) =	sbr.abs _section_cstart, $3  }
0xc6: {  	[dreg:$0x1] =	wrdreg $0xFFFFFFFF  }
0xc7: {  	_ =	task.clear_ibuf [dreg:s7], $0x2FFFF;
	_ =	strace $0x9FFFFFFF  }
0xc8: {  	(tm) =	ssettm $0x7FFFFFFF  }
0xc9: {  	_ =	shalt  }
tec
execute0_lowered:
.L_overlay_start_1:
0x0: {  	(tag) =	ssettag $0x1  }
0x1: {  	s1 =	srdreg.scid;
	s4 =	rddreg [dreg:$0x0]  }
0x2: {  	s0 =	stileid.u32;
	s7 =	rddreg [dreg:$0x1];
	s2 =	simm.s32 $0x0  }
0x3: {  	s15 =	simm.s32 $0x28;
	s16 =	simm.s32 $0xC80;
	s17 =	simm.s32 $0xA8C0  }
0x4: {  	s18 =	simm.s32 $0x1;
	s19 =	simm.s32 $0x3;
	s20 =	simm.s32 $0x2  }
0x5: {  	s6 =	sand.u32 $0x1, s1;
	s24 =	sshll.u32 s0, $0x1;
	s14 =	smul.u32 $0x61A80, s0  }
0x6: {  	s21 =	simm.s32 $0x4;
	s5 =	sor.u32 s6, s24;
	s28 =	smul.u32 $0x30D40, s6  }
0x7: {  	s22 =	simm.s32 $0x148F0;
	s1 =	rddreg [dreg:$0x2];
	s3 =	smul.u32 $0x640, s5  }
0x8: {  	s23 =	simm.s32 $0x0;
	[smem:$0x7FF] =	sst s2;
	s8 =	smul.u32 $0x7E, s5  }
0x9: {  	_ =	strace $0x80000047;
	s11 =	ssub.s32 $0x2, s6;
	s12 =	smul.u32 $0x30D40, s5  }
0xa: {  	s10 =	sshll.u32 s5, $0x1;
	s25 =	sshrl.u32 s11, $0x1;
	s13 =	smul.u32 $0x186A00, s5  }
0xb: {  	s30 =	sadd.s32 s14, s7;
	s14 =	simm.s32 $0x14500;
	s10 =	sadd.s32 s10, s4  }
0xc: {  	s11 =	ssub.s32 s11, s25;
	s31 =	sadd.s32 s28, s30;
	s3 =	sshrl.u32 s3, $0x3  }
0xd: {  	s8 =	sadd.s32 s8, s4;
	s26 =	sshrl.u32 s13, $0x3;
	s13 =	simm.s32 $0x640  }
0xe: {  	v0 =	vlaneseq.u32;
	s9 =	sadd.s32 s3, s4;
	s3 =	sadd.s32 $0x4600, s4;
	s6 =	sadd.s32 $0x23000, s8  }
0xf: {  	v0 =	vmul.u32 $0x3E8, v0;
	s29 =	sadd.s32 s7, s26;
	s7 =	sadd.s32 s7, s12;
	s12 =	simm.s32 $0x5  }
0x10: {  	s4 =	sadd.s32 $0x1200, s9;
	s5 =	sadd.s32 $0x2C00, s9;
	s8 =	sadd.s32 $0x2F9B8, s29  }
0x11: {  	v1 =	vimm.f32 $0.0e+00;
	v2 =	vimm.f32 $1.000000000e+00;
	v3 =	vadd.s32 $0x3E80, v0;
	s9 =	sadd.s32 $0x24000, s10;
	s10 =	smax.u32 s11, $0x1;
	s11 =	sadd.s32 $0x2710, s31  }
.LBB2_1:
0x12: {  	[tilespmem:s2], [sflag:$0x5] =	stream.linear.gather [hbm4b:s4+s2], $0x640, $0x38;
	[tilespmem:$0x14900] =	vst v63  }
0x13: {  	_ =	swait.ge [sflag:s12], $0x640  }
0x14: {  	[sflag:s12] =	ssyncset.done $0x0  }
0x15: {  	[sflag:s12] =	ssyncadd.s32 $0xFFFFF9C0  }
0x16: {  	[tilespmem:s13], [sflag:$0x5] =	stream.linear.gather [hbm4b:s5+s2], $0x640, $0x38;
	[tilespmem:$0x14900] =	vst v63  }
0x17: {  	_ =	swait.ge [sflag:s12], $0x640  }
0x18: {  	[sflag:s12] =	ssyncset.done $0x0  }
0x19: {  	s24 =	simm.s32 $0x40;
	s25 =	simm.s32 $0x0;
	[sflag:s12] =	ssyncadd.s32 $0xFFFFF9C0  }
.LBB2_2:
0x1a: {  	p0 =	sne.s32 s24, $0xF80;
	[tilespmem:s25+$0x14500] =	vst v1;
	s25 =	smov.u32 s24;
	s24 =	sadd.s32 $0x40, s24  }
.Ltmp0:
0x1b: {  	(pc) =	sbr.rel @p0 .LBB2_2-.Ltmp0, $2  }
0x1c: {  	_ =	sdelay $0x2  }
0x1d: {  	s25 =	sshra.s32 s25, $0x2  }
0x1e: {  	[tilespmem:s25+$0x14500] =	vst v1  }
0x1f: {  	s25 =	simm.s32 $0x0;
	s24 =	simm.s32 $0x40;
	[tilespmem:$0x148F0] =	vst v1  }
.LBB2_4:
0x20: {  	p0 =	sne.s32 s24, $0x18C0;
	v4 =	vld [tilespmem:s25+$0x0];
	_ =	sdelay $0x3  }
.Ltmp1:
0x21: {  	(pc) =	sbr.rel @p0 .LBB2_4-.Ltmp1, $2  }
0x22: {  	_ =	sdelay $0x2  }
0x23: {  	s25 =	sshra.s32 s24, $0x2;
	s24 =	sadd.s32 $0x40, s24;
	[tilespmem:v4+s14+$0x0] =	vst.idx.add.f32.msk $0xffff, v2  }
0x24: {  	v4 =	vld [tilespmem:s25+$0x0];
	_ =	sdelay $0x7  }
0x25: {  	s24 =	simm.s32 $0x0;
	[tilespmem:v4+s14+$0x0] =	vst.idx.add.f32.msk $0xffff, v2  }
0x26: {  	[hbm4b:s6+s24] =	stream.linear.scatter [tilespmem:s14], [sflag:$0x5], $0x3F0, $0x38;
	[tilespmem:$0x14900] =	vst v63  }
0x27: {  	_ =	swait.ge [sflag:s12], $0x3F0  }
0x28: {  	[sflag:s12] =	ssyncset.done $0x0  }
0x29: {  	[sflag:s12] =	ssyncadd.s32 $0xFFFFFC10  }
0x2a: {  	[tilespmem:s16], [sflag:$0x1] =	stream.indirect.gather [hbm4b:s3+s15], $0x3E8, s24, s15, $0xb8;
	[tilespmem:$0x14900] =	vst v63  }
0x2b: {  	_ = 	snop  }
0x2c: {  	[tilespmem:s17], [sflag:$0x2] =	stream.indirect.gather [hbm4b:s3+s15], $0x3E8, s15, s15, $0xb8;
	[tilespmem:$0x14900] =	vst v63  }
0x2d: {  	_ =	swait.ge [sflag:s18], $0x9C40  }
0x2e: {  	[sflag:s18] =	ssyncset.done $0x0  }
0x2f: {  	[sflag:s18] =	ssyncadd.s32 $0xFFFF63C0  }
0x30: {  	[hbm4b:s7+s24] =	stream.linear.scatter [tilespmem:s16], [sflag:$0x3], $0x9C40, $0x38;
	[tilespmem:$0x14900] =	vst v63  }
0x31: {  	v4 =	vld [tilespmem:$0x640];
	_ =	sdelay $0x4  }
0x32: {  	v4 =	vadd.s32 v0, v4;
	_ =	sdelay $0x2  }
0x33: {  	v5 =	vld [tilespmem:$0x650]  }
0x34: {  	v6 =	vld [tilespmem:$0x148F0]  }
0x35: {  	v4 =	vld.idx.msk [tilespmem:v4+s16+$0x0], $0xffff;
	_ =	sdelay $0x2  }
0x36: {  	v5 =	vadd.s32 v3, v5;
	_ =	sdelay $0x1  }
0x37: {  	v4 =	vadd.f32 v4, v6;
	_ =	sdelay $0x1  }
0x38: {  	[tilespmem:$0x148F0] =	vst v4  }
0x39: {  	v5 =	vld.idx.msk [tilespmem:v5+s16+$0x0], $0xffff;
	_ =	sdelay $0x4  }
0x3a: {  	v4 =	vadd.f32 v5, v4;
	_ =	sdelay $0x1  }
0x3b: {  	s25 =	smov.u32 s11;
	[tilespmem:$0x148F0] =	vst v4  }
.LBB2_6:
0x3c: {  	_ =	swait.ge [sflag:s19], $0x9C40  }
0x3d: {  	s26 =	sshra.s32 s24, $0x2;
	[sflag:s19] =	ssyncset.done $0x0  }
0x3e: {  	s28 =	sadd.s32 $0x50, s26;
	[sflag:s19] =	ssyncadd.s32 $0xFFFF63C0  }
0x3f: {  	[tilespmem:s16], [sflag:$0x1] =	stream.indirect.gather [hbm4b:s3+s15], $0x3E8, s28, s15, $0xb8;
	[tilespmem:$0x14900] =	vst v63  }
0x40: {  	_ =	swait.ge [sflag:s20], $0x9C40  }
0x41: {  	[sflag:s20] =	ssyncset.done $0x0  }
0x42: {  	s30 =	sadd.s32 $0xFFFFEC78, s25;
	[sflag:s20] =	ssyncadd.s32 $0xFFFF63C0  }
0x43: {  	[hbm4b:s30+s2] =	stream.linear.scatter [tilespmem:s17], [sflag:$0x4], $0x9C40, $0x38;
	[tilespmem:$0x14900] =	vst v63  }
0x44: {  	v4 =	vld [tilespmem:s26+$0x668];
	_ =	sdelay $0x4  }
0x45: {  	v4 =	vadd.s32 v0, v4;
	_ =	sdelay $0x3  }
0x46: {  	v5 =	vld [tilespmem:$0x148F0]  }
0x47: {  	v4 =	vld.idx.msk [tilespmem:v4+s17+$0x0], $0xffff;
	_ =	sdelay $0x4  }
0x48: {  	v4 =	vadd.f32 v4, v5;
	_ =	sdelay $0x1  }
0x49: {  	[tilespmem:$0x148F0] =	vst v4  }
0x4a: {  	v5 =	vld [tilespmem:s26+$0x678];
	_ =	sdelay $0x4  }
0x4b: {  	v5 =	vadd.s32 v3, v5;
	_ =	sdelay $0x4  }
0x4c: {  	v5 =	vld.idx.msk [tilespmem:v5+s17+$0x0], $0xffff;
	_ =	sdelay $0x4  }
0x4d: {  	v4 =	vadd.f32 v5, v4;
	_ =	sdelay $0x1  }
0x4e: {  	[tilespmem:$0x148F0] =	vst v4  }
0x4f: {  	_ =	swait.ge [sflag:s21], $0x9C40  }
0x50: {  	[sflag:s21] =	ssyncset.done $0x0  }
0x51: {  	s31 =	sadd.s32 $0x78, s26;
	[sflag:s21] =	ssyncadd.s32 $0xFFFF63C0  }
0x52: {  	[tilespmem:s17], [sflag:$0x2] =	stream.indirect.gather [hbm4b:s3+s15], $0x3E8, s31, s15, $0xb8;
	[tilespmem:$0x14900] =	vst v63  }
0x53: {  	_ =	swait.ge [sflag:s18], $0x9C40  }
0x54: {  	[sflag:s18] =	ssyncset.done $0x0  }
0x55: {  	[sflag:s18] =	ssyncadd.s32 $0xFFFF63C0  }
0x56: {  	[hbm4b:s25+s2] =	stream.linear.scatter [tilespmem:s16], [sflag:$0x3], $0x9C40, $0x38;
	[tilespmem:$0x14900] =	vst v63  }
0x57: {  	v4 =	vld [tilespmem:s26+$0x690];
	_ =	sdelay $0x4  }
0x58: {  	v4 =	vadd.s32 v0, v4;
	_ =	sdelay $0x3  }
0x59: {  	v5 =	vld [tilespmem:$0x148F0]  }
0x5a: {  	v4 =	vld.idx.msk [tilespmem:v4+s16+$0x0], $0xffff;
	_ =	sdelay $0x4  }
0x5b: {  	v4 =	vadd.f32 v4, v5;
	_ =	sdelay $0x1  }
0x5c: {  	[tilespmem:$0x148F0] =	vst v4  }
0x5d: {  	v5 =	vld [tilespmem:s26+$0x6A0];
	_ =	sdelay $0x4  }
0x5e: {  	v5 =	vadd.s32 v3, v5;
	_ =	sdelay $0x4  }
0x5f: {  	v5 =	vld.idx.msk [tilespmem:v5+s16+$0x0], $0xffff;
	_ =	sdelay $0x1  }
0x60: {  	p0 =	sne.s32 s24, $0x1680  }
.Ltmp2:
0x61: {  	_ = 	snop;
	(pc) =	sbr.rel @p0 .LBB2_6-.Ltmp2, $3  }
0x62: {  	_ = 	snop  }
0x63: {  	v4 =	vadd.f32 v5, v4;
	_ =	sdelay $0x1  }
0x64: {  	s24 =	sadd.s32 $0x140, s24;
	s25 =	sadd.s32 $0x2710, s25;
	[tilespmem:$0x148F0] =	vst v4  }
0x65: {  	_ =	swait.ge [sflag:s19], $0x9C40  }
0x66: {  	[sflag:s19] =	ssyncset.done $0x0  }
0x67: {  	[sflag:s19] =	ssyncadd.s32 $0xFFFF63C0  }
0x68: {  	_ =	swait.ge [sflag:s20], $0x9C40  }
0x69: {  	[sflag:s20] =	ssyncset.done $0x0  }
0x6a: {  	[sflag:s20] =	ssyncadd.s32 $0xFFFF63C0  }
0x6b: {  	[hbm4b:s8+s2] =	stream.linear.scatter [tilespmem:s17], [sflag:$0x4], $0x9C40, $0x38;
	[tilespmem:$0x14900] =	vst v63  }
0x6c: {  	v4 =	vld [tilespmem:$0xC58];
	_ =	sdelay $0x4  }
0x6d: {  	v4 =	vadd.s32 v0, v4;
	_ =	sdelay $0x2  }
0x6e: {  	v5 =	vld [tilespmem:$0xC68]  }
0x6f: {  	v6 =	vld [tilespmem:$0x148F0]  }
0x70: {  	v4 =	vld.idx.msk [tilespmem:v4+s17+$0x0], $0xffff;
	_ =	sdelay $0x2  }
0x71: {  	v5 =	vadd.s32 v3, v5;
	_ =	sdelay $0x1  }
0x72: {  	v4 =	vadd.f32 v4, v6;
	_ =	sdelay $0x1  }
0x73: {  	[tilespmem:$0x148F0] =	vst v4  }
0x74: {  	v5 =	vld.idx.msk [tilespmem:v5+s17+$0x0], $0xffff;
	_ =	sdelay $0x4  }
0x75: {  	v4 =	vadd.f32 v5, v4;
	_ =	sdelay $0x1  }
0x76: {  	[tilespmem:$0x148F0] =	vst v4  }
0x77: {  	s23 =	sadd.s32 $0x1, s23;
	_ =	swait.ge [sflag:s21], $0x9C40  }
0x78: {  	p0 =	sne.s32 s23, s10;
	[sflag:s21] =	ssyncset.done $0x0  }
.Ltmp3:
0x79: {  	[sflag:s21] =	ssyncadd.s32 $0xFFFF63C0;
	(pc) =	sbr.rel @p0 .LBB2_1-.Ltmp3, $4  }
0x7a: {  	[hbm4b:s9+s2] =	stream.linear.scatter [tilespmem:s22], [sflag:$0x5], $0x10, $0x38;
	[tilespmem:$0x14900] =	vst v63  }
0x7b: {  	_ =	swait.ge [sflag:s12], $0x10  }
0x7c: {  	[sflag:s12] =	ssyncset.done $0x0  }
0x7d: {  	[sflag:s12] =	ssyncadd.s32 $0xFFFFFFF0  }
0x7e: {  	_ =	sfence.sel $0x180000  }
0x7f: {  	[bflag:$0x0] =	sbarrier.arrive $0xFFFF  }
0x80: {  	p0 =	sne.s32 s0, $0x0;
	_ =	strace $0x90000047  }
0x81: {  	s0 =	sadd.s32 @!p0 $0x100000, s1;
	[bflag:$0x2] =	sbarrier.arrive $0xFFFF  }
0x82: {  	[sflag:s0] =	ssyncadd.tile.s32 @!p0 $0x1;
	_ =	shalt  }
.Lfunc_end2:
_tile_overlayer_lowered:
.L_overlay_start_2:
0x83: {  	(tag) =	ssettag $0x2  }
0x84: {  	s0 =	rddreg [dreg:$0x0];
	s2 =	stileid.u32  }
0x85: {  	s1 =	rddreg [dreg:$0x1];
	p0 =	sne.s32 s2, $0x0  }
0x86: {  	s3 =	rddreg [dreg:$0x2];
	[bflag:$0x3] =	sbarrier.arrive $0xFFFF;
	s2 =	simm.s32 @!p0 $0x1C05  }
0x87: {  	[timem:s3], [sflag:s2] =	dma.local @!p0 [hbm:s0], s1  }
0x88: {  	s0 =	simm.s32 @!p0 $0x5  }
0x89: {  	_ =	swait.ge @!p0 [sflag:s0], s1  }
0x8a: {  	s1 =	ssub.s32 @!p0 $0x0, s1;
	[sflag:s0] =	ssyncset.done @!p0 $0x0  }
0x8b: {  	[sflag:s0] =	ssyncadd.s32 @!p0 s1  }
0x8c: {  	[bflag:$0x3] =	sbarrier.arrive $0xFFFF  }
0x8d: {  	_ =	shalt  }

// kernel: sparse-core-data-format-call.cloned.1.call-start
scs
called_computation_lowered:
.L_overlay_start_0:
0x0: {  	s2 =	sld [smem:$0x3FD9]  }
0x1: {  	s3 =	sld [smem:$0x3FFE];
	_ =	sdelay $0x1  }
0x2: {  	s1 =	srdreg.scid  }
0x3: {  	s0 =	sand.u32 $0x1, s1  }
0x4: {  	s15 =	sshll.u32 s0, $0xA;
	s2 =	sadd.s32 s3, s2  }
0x5: {  	s2 =	sadd.s32 s2, s15  }
0x6: {  	[smem:$0x3FC5] =	sst s2  }
0x7: {  	_ = 	snop  }
0x8: {  	s2 =	sld [smem:$0x3FD0];
	_ =	sdelay $0x2  }
0x9: {  	s16 =	simm.s32 $0xA;
	s4 =	simm.s32 $0x10  }
0xa: {  	[smem:s4], [sflag:s16] =	dma.local [hbm:s2], $0x1  }
0xb: {  	_ =	swait.eq [sflag:s16], $0x1  }
0xc: {  	[sflag:s16] =	ssyncset.done $0x0  }
0xd: {  	[sflag:s16] =	ssyncadd.s32 $0xFFFFFFFF  }
0xe: {  	s17 =	sld [smem:$0x10];
	(tm) =	ssettm $0x1  }
0xf: {  	s18 =	sld [smem:$0x3FFB];
	_ =	sdelay $0x3  }
0x10: {  	_ =	strace s18  }
0x11: {  	s3 =	sld [smem:$0x3FFC];
	_ =	sdelay $0x3  }
0x12: {  	_ =	strace s3  }
0x13: {  	s3 =	sld [smem:$0x3FFD];
	_ =	sdelay $0x3  }
0x14: {  	_ =	strace s3  }
0x15: {  	_ =	strace $0x8FFFFFFF  }
0x16: {  	s19 =	sld [smem:$0x3FDB];
	_ =	sdelay $0x1  }
0x17: {  	s20 =	simm.s32 $_scs_section_size  }
0x18: {  	s5 =	simm.s32 $_size__tile_overlayer_lowered;
	s6 =	simm.s32 $_tile_overlayer_lowered  }
0x19: {  	s23 =	simm.s32 $0x1BFF;
	s22 =	sshll.u32 s6, $0x1;
	s3 =	sadd.s32 s20, s19  }
0x1a: {  	s7 =	simm.s32 $0x0;
	s21 =	sshll.u32 s5, $0x1;
	s5 =	sadd.s32 s22, s3  }
0x1b: {  	[timem:s7], [sflag:s23] =	dma.local [hbm:s5], s21  }
0x1c: {  	_ =	swait.ge [sflag:s23], s21  }
0x1d: {  	s4 =	ssub.s32 $0x0, s21;
	[sflag:s23] =	ssyncset.done $0x0  }
0x1e: {  	[sflag:s23] =	ssyncadd.s32 s4;
	_ =	sdelay $0x1  }
0x1f: {  	s24 =	simm.s32 $0x1B8B  }
0x20: {  	_ =	swait.ge [sflag:s24], $0x1  }
0x21: {  	[sflag:s24] =	ssyncset.done $0x0  }
0x22: {  	s26 =	simm.s32 $0x1B8E;
	s25 =	sld [smem:$0x3FFE];
	[sflag:s24] =	ssyncadd.s32 $0xFFFFFFFF  }
0x23: {  	s27 =	simm.s32 $execute0_lowered;
	[smem:$0x3FD2] =	sst s26  }
0x24: {  	s5 =	sshll.u32 s27, $0x1;
	_ =	strace $0x80000049;
	[dreg:$0x1] =	wrdreg $0xFFFFFFFF  }
0x25: {  	s28 =	simm.s32 $_size_execute0_lowered;
	s3 =	sadd.s32 s3, s5;
	[dreg:$0x0] =	wrdreg $0x0  }
0x26: {  	s5 =	sshll.u32 s28, $0x1;
	[dreg:$0x2] =	wrdreg s3  }
0x27: {  	[dreg:$0x3] =	wrdreg s5  }
0x28: {  	[dreg:$0x4] =	wrdreg $0xC0  }
0x29: {  	_ =	task [dreg:s7], $0x5FFFF  }
0x2a: {  	[dreg:$0x1] =	wrdreg $0xFFFFFFFF  }
0x2b: {  	[dreg:$0x0] =	wrdreg $0x60  }
0x2c: {  	[dreg:$0x2] =	wrdreg s25  }
0x2d: {  	[dreg:$0x3] =	wrdreg s17  }
0x2e: {  	[dreg:$0x4] =	wrdreg $0x9  }
0x2f: {  	_ =	task.clear_ibuf [dreg:s7], $0x5FFFF;
	_ =	strace $0x90000049  }
0x30: {  	s29 =	simm.s32 $0x9;
	_ =	strace $0x8000004B  }
0x31: {  	_ =	swait.ge [sflag:s29], $0x1  }
0x32: {  	[sflag:s29] =	ssyncadd.s32 $0xFFFFFFFF  }
0x33: {  	_ =	strace $0x9000004B  }
0x34: {  	_ =	sfence  }
0x35: {  	s30 =	sld [smem:$0x0];
	_ =	sdelay $0x2  }
0x36: {  	s31 =	sshll.u32 s1, $0xD;
	s1 =	sshrl.u32 s1, $0x2  }
0x37: {  	s3 =	sand.u32 $0x4000, s31;
	s1 =	sadd.s32 s1, s30  }
0x38: {  	s0 =	sor.u32 s3, s0;
	s1 =	sshll.u32 s1, $0x11  }
0x39: {  	s0 =	sor.u32 s1, s0  }
0x3a: {  	s0 =	sadd.s32 $0x8F2B, s0  }
0x3b: {  	[sflag:s0] =	ssyncadd.remote.s32 $0x1  }
0x3c: {  	_ =	sfence.sel $0xFFFF  }
0x3d: {  	[dreg:$0x0] =	wrdreg $0xFFFFFFFF;
	(pc) =	sbr.abs _section_cstart, $3  }
0x3e: {  	[dreg:$0x1] =	wrdreg $0xFFFFFFFF  }
0x3f: {  	_ =	task.clear_ibuf [dreg:s7], $0x2FFFF;
	_ =	strace $0x9FFFFFFF  }
0x40: {  	(tm) =	ssettm $0x7FFFFFFF  }
0x41: {  	_ =	shalt  }
tec
execute0_lowered:
.L_overlay_start_1:
0x0: {  	(tag) =	ssettag $0x1  }
0x1: {  	s4 =	rddreg [dreg:$0x0]  }
0x2: {  	s0 =	stileid.u32;
	s2 =	rddreg [dreg:$0x1]  }
0x3: {  	s7 =	srdreg.scid;
	s31 =	simm.s32 $0x2;
	s17 =	simm.s32 $0x0  }
0x4: {  	s9 =	simm.s32 $0x2000;
	s19 =	simm.s32 $0x0;
	s18 =	simm.s32 $0x0  }
0x5: {  	s10 =	simm.s32 $0x0;
	s11 =	simm.s32 $0x0;
	s1 =	sshll.u32 s0, $0x7  }
0x6: {  	s12 =	simm.s32 $0x0;
	s14 =	simm.s32 $0x0;
	s3 =	sand.u32 $0x380, s1  }
0x7: {  	s16 =	simm.s32 $0x0;
	s4 =	sadd.s32 $0x24200, s4;
	s5 =	ssub.s32 $0x400, s3  }
0x8: {  	s8 =	sshll.u32 s0, $0x4;
	s7 =	sshll.u32 s7, $0x8;
	s6 =	sand.u32 $0x380, s5  }
0x9: {  	s1 =	rddreg [dreg:$0x2];
	p0 =	sne.s32 s6, $0x0;
	s6 =	simm.s32 $0x1  }
.Ltmp0:
0xa: {  	s5 =	sshrl.u32 s5, $0xA;
	s6 =	simm.s32 @!p0 $0x0;
	(pc) =	sbr.rel .LBB1_1-.Ltmp0, $4  }
0xb: {  	_ =	strace $0x8000004A;
	s7 =	sor.u32 s8, s7;
	s6 =	sadd.s32 s6, s5  }
0xc: {  	s7 =	sand.u32 $0x180, s7;
	s5 =	simm.s32 $0x1;
	s6 =	smul.u32 $0x64, s6  }
0xd: {  	s15 =	smov.u32 s3;
	s13 =	smov.u32 s7;
	[sflag:s5] =	ssyncpa.u1 $0x0  }
0xe: {  	p0 =	por $0x0, $0x0;
	[sflag:s31] =	ssyncpa.u1 $0x0;
	s8 =	sor.u32 $0x1, s6  }
.LBB1_4:
0xf: {  	s25 =	sshll.u32 s10, $0xA;
	s24 =	sshra.s32 s24, $0x2;
	s26 =	sshll.u32 s12, $0x3  }
0x10: {  	p1 =	sgt.s32 s11, $0x31;
	s27 =	smov.u32 s11;
	s28 =	sshra.s32 s11, $0x1F  }
0x11: {  	p2 =	sgt.s32 s12, $0x380;
	s31 =	sshra.s32 s12, $0x1F;
	s25 =	sand.u32 $0xFFFFE000, s25  }
0x12: {  	s26 =	sand.u32 $0xFFFFFC00, s26;
	s27 =	simm.s32 @!p1 $0x31;
	s28 =	sand.u32 s28, s11  }
0x13: {  	[tilespmem:s22+$0x2040 ss:$0x81] =	vst.msk $0xffff, v4;
	s23 =	sadd.s32 s24, s23;
	s29 =	sadd.s32 s26, s25;
	s25 =	ssub.s32 s27, s28  }
0x14: {  	[tilespmem:s22+$0x2850 ss:$0x81] =	vst.msk $0xffff, v3;
	s27 =	smov.u32 s12;
	s28 =	smov.u32 s10;
	s26 =	sand.u32 s31, s12  }
0x15: {  	[tilespmem:s22+$0x3060 ss:$0x81] =	vst.msk $0xffff, v2;
	s24 =	sshrl.u32 s29, $0xA;
	s30 =	sadd.s32 $0xFFFFFFCF, s25;
	s27 =	simm.s32 @!p2 $0x380  }
0x16: {  	v5 =	vld [tilespmem:s21+$0xFFFFFFD0];
	[tilespmem:s22+$0x0 ss:$0x81] =	vst.msk $0xffff, v1;
	p2 =	sgt.s32 s10, $0x368;
	s29 =	sshra.s32 s10, $0x1F;
	s22 =	ssub.s32 $0x32, s25  }
0x17: {  	v58 =	vld [tilespmem:s21+$0xFFFFFFE0];
	p1 =	sgt.s32 s30, $0x0;
	s28 =	simm.s32 @!p2 $0x368;
	s29 =	sand.u32 s29, s10  }
0x18: {  	v59 =	vld [tilespmem:s21+$0xFFFFFFF0];
	s26 =	ssub.s32 s27, s26;
	s27 =	smulhi.u32 $0x418938, s24;
	s28 =	ssub.s32 s28, s29  }
0x19: {  	v60 =	vld [tilespmem:s21+$0x0];
	s30 =	sadd.s32 $0xFFFFFC80, s26;
	s25 =	ssub.s32 $0x400, s26;
	s22 =	simm.s32 @p1 $0x0  }
0x1a: {  	v61 =	vld [tilespmem:s21+$0x10];
	[tilespmem:s23+$0x3870 ss:$0x81] =	vst.msk $0xffff, v0;
	s29 =	sand.u32 $0x78, s12;
	p2 =	sgt.s32 s30, $0x7F;
	s31 =	sadd.s32 $0xFFFFFC98, s28  }
0x1b: {  	v62 =	vld [tilespmem:s21+$0x20];
	[tilespmem:s23+$0x810 ss:$0x81] =	vst.msk $0xffff, v5;
	s27 =	smul.u32 $0x3E8, s27;
	s30 =	sshll.u32 s10, $0x7;
	s28 =	ssub.s32 $0x3E8, s28  }
0x1c: {  	v63 =	vld [tilespmem:s21+$0xFFFFFFC0];
	[tilespmem:s23+$0x1020 ss:$0x81] =	vst.msk $0xffff, v58;
	s25 =	simm.s32 @p2 $0x0;
	p1 =	sgt.s32 s31, $0x7F;
	s31 =	smul.u32 $0x1F400, s11  }
0x1d: {  	[tilespmem:s23+$0x1830 ss:$0x81] =	vst.msk $0xffff, v59;
	s21 =	sand.u32 $0x380, s30;
	s22 =	smul.u32 s25, s22;
	s28 =	simm.s32 @p1 $0x0  }
0x1e: {  	[tilespmem:s23+$0x2040 ss:$0x81] =	vst.msk $0xffff, v60;
	s21 =	sor.u32 s29, s21;
	s24 =	ssub.s32 s24, s27;
	s29 =	sand.u32 $0x7, s12  }
0x1f: {  	[tilespmem:s23+$0x2850 ss:$0x81] =	vst.msk $0xffff, v61;
	s21 =	sshrl.u32 s21, $0x3;
	s25 =	sadd.s32 s2, s31;
	s22 =	smul.u32 s28, s22  }
0x20: {  	[tilespmem:s23+$0x3060 ss:$0x81] =	vst.msk $0xffff, v62;
	s24 =	sshll.u32 s24, $0x7;
	s30 =	sshll.u32 s29, $0x12;
	s21 =	sadd.s32 s21, s25  }
0x21: {  	[tilespmem:s23+$0x0 ss:$0x81] =	vst.msk $0xffff, v63;
	s31 =	sor.u32 $0x400, s30;
	s21 =	sadd.s32 s24, s21;
	s22 =	sand.u32 $0x3FFFFFFF, s22  }
0x22: {  	[hbm4b:s21+s31] =	stream.strided.scatter [tilespmem:s20], [sflag:$0x2], s22, s9, s31, $0x20;
	[tilespmem:$0x10100] =	vst v63  }
.LBB1_5:
0x23: {  	p1 =	slt.u32 s16, $0x2  }
0x24: {  	p2 =	sgt.s32 @!p1 s19, $0x31  }
0x25: {  	s20 =	smov.u32 s19;
	s21 =	sshra.s32 @!p1 s19, $0x1F;
	p2 =	por !p2, p1  }
0x26: {  	s19 =	sand.u32 @!p1 s21, s19;
	s20 =	simm.s32 @p2 $0x31  }
0x27: {  	p3 =	sgt.s32 @!p1 s17, $0x368;
	s19 =	ssub.s32 @!p1 s20, s19  }
0x28: {  	p4 =	sgt.s32 @!p1 s18, $0x380;
	s22 =	sshra.s32 @!p1 s18, $0x1F;
	s20 =	sadd.s32 @!p1 $0xFFFFFFCF, s19  }
0x29: {  	s21 =	smov.u32 s17;
	p2 =	sgt.s32 @!p1 s20, $0x0;
	s20 =	sshra.s32 @!p1 s17, $0x1F  }
0x2a: {  	p4 =	por !p4, p1;
	s17 =	sand.u32 @!p1 s20, s17;
	s20 =	smov.u32 s18  }
0x2b: {  	p3 =	por !p3, p1;
	s18 =	sand.u32 @!p1 s22, s18;
	s20 =	simm.s32 @p4 $0x380  }
0x2c: {  	s21 =	simm.s32 @p3 $0x368;
	s19 =	ssub.s32 @!p1 $0x32, s19;
	s18 =	ssub.s32 @!p1 s20, s18  }
0x2d: {  	p2 =	por !p2, p1;
	s17 =	ssub.s32 @!p1 s21, s17;
	s21 =	sadd.s32 @!p1 $0xFFFFFC80, s18  }
0x2e: {  	s19 =	simm.s32 @!p2 $0x0;
	p3 =	sgt.s32 @!p1 s21, $0x7F  }
0x2f: {  	s20 =	sadd.s32 @!p1 $0xFFFFFC98, s17;
	s18 =	ssub.s32 @!p1 $0x400, s18;
	p3 =	por !p3, p1  }
0x30: {  	p2 =	sgt.s32 @!p1 s20, $0x7F;
	s20 =	sadd.s32 $0x200, s13;
	s18 =	simm.s32 @!p3 $0x0  }
0x31: {  	p3 =	sgt.s32 s20, $0x3E7;
	s18 =	smul.u32 @!p1 s18, s19;
	s19 =	simm.s32 $0x1  }
0x32: {  	s17 =	ssub.s32 @!p1 $0x3E8, s17;
	p2 =	por !p2, p1;
	s19 =	simm.s32 @!p3 $0x0  }
0x33: {  	s22 =	smov.u32 s15;
	s17 =	simm.s32 @!p2 $0x0;
	s21 =	sadd.s32 s19, s14  }
0x34: {  	s17 =	smul.u32 @!p1 s17, s18;
	s18 =	sadd.s32 $0x400, s15;
	p2 =	sgt.s32 s21, $0x31  }
0x35: {  	p0 =	por !p0, !p0;
	s23 =	simm.s32 @!p1 $0x2;
	s22 =	smov.u32 @p2 s18  }
0x36: {  	s20 =	smov.u32 @p3 s7;
	s21 =	simm.s32 @p2 $0x0;
	p2 =	sgt.s32 s22, $0x3FF  }
0x37: {  	s19 =	smov.u32 s11;
	s22 =	smov.u32 @p2 s3;
	p2 =	sne.s32 s16, s8  }
.Ltmp1:
0x38: {  	s11 =	smov.u32 s14;
	s17 =	sand.u32 @!p1 $0x3FFFFFFF, s17;
	(pc) =	sbr.rel @!p2 .LBB1_6-.Ltmp1, $4  }
0x39: {  	s18 =	smov.u32 s12;
	s12 =	smov.u32 s15;
	_ =	swait.ge @!p1 [sflag:s23], s17  }
0x3a: {  	s24 =	ssub.s32 @!p1 $0x0, s17;
	s17 =	smov.u32 s10;
	s10 =	smov.u32 s13  }
0x3b: {  	s13 =	smov.u32 s20;
	s14 =	smov.u32 s21;
	[sflag:s23] =	ssyncset.done @!p1 $0x0  }
0x3c: {  	s16 =	sadd.s32 $0x1, s16;
	[sflag:s23] =	ssyncadd.s32 @!p1 s24;
	s15 =	smov.u32 s22  }
.LBB1_1:
0x3d: {  	p1 =	sge.u32 s16, s6  }
0x3e: {  	s20 =	sshll.u32 @!p1 s14, $0xA  }
0x3f: {  	s21 =	sshll.u32 @!p1 s13, $0x3;
	s20 =	sand.u32 @!p1 $0xFFFFE000, s20  }
0x40: {  	s20 =	sadd.s32 @!p1 s20, s21  }
0x41: {  	s20 =	sshrl.u32 @!p1 s20, $0xA  }
0x42: {  	s21 =	smulhi.u32 @!p1 $0x4924925, s20  }
0x43: {  	s22 =	sshll.u32 @!p1 s14, $0x7;
	s24 =	smul.u32 @!p1 $0x1C00, s15  }
0x44: {  	s23 =	sand.u32 @!p1 $0x78, s13;
	s22 =	sand.u32 @!p1 $0x380, s22;
	s21 =	smul.u32 @!p1 $0x38, s21  }
0x45: {  	s31 =	sadd.s32 $0xFFFFFFFF, s16;
	s22 =	sor.u32 @!p1 s23, s22;
	s23 =	sadd.s32 @!p1 s4, s24  }
0x46: {  	s22 =	sshrl.u32 @!p1 s22, $0x3;
	s20 =	ssub.s32 @!p1 s20, s21;
	s21 =	sxor.u32 @!p1 $0xFFFFFFFF, s16  }
0x47: {  	s22 =	sadd.s32 @!p1 s22, s23;
	s23 =	sand.u32 @!p1 $0x7, s13;
	s21 =	sshll.u32 @!p1 s21, $0xE  }
0x48: {  	s23 =	sshll.u32 @!p1 s23, $0x12;
	s20 =	sshll.u32 @!p1 s20, $0x7;
	s21 =	sand.u32 @!p1 $0x4000, s21  }
0x49: {  	s20 =	sadd.s32 @!p1 s20, s22;
	s22 =	sor.u32 @!p1 $0x80, s23;
	s23 =	simm.s32 @!p1 $0xE000  }
0x4a: {  	[tilespmem:s21], [sflag:$0x1] =	stream.strided.gather @!p1 [hbm4b:s20+s22], $0x4000, s23, s22, $0x38;
	[tilespmem:$0x10100] =	vst v63  }
0x4b: {  	p1 =	sge.u32 s31, s6  }
.Ltmp2:
0x4c: {  	_ = 	snop;
	(pc) =	sbr.rel @p1 .LBB1_5-.Ltmp2, $1  }
0x4d: {  	_ =	sdelay $0x3  }
0x4e: {  	s20 =	simm.s32 $0x1  }
0x4f: {  	_ =	swait.ge [sflag:s5], $0x4000;
	s20 =	simm.s32 @!p0 $0x0  }
0x50: {  	[sflag:s5] =	ssyncset.done $0x0;
	s21 =	sshll.u32 s20, $0xE  }
0x51: {  	[sflag:s5] =	ssyncadd.s32 $0xFFFFC000;
	s21 =	sor.u32 $0x40, s21  }
0x52: {  	s20 =	smul.u32 $0x10200, s20;
	v0 =	vld [tilespmem:s21+$0x30]  }
0x53: {  	v1 =	vld [tilespmem:s21+$0xFFFFFFD0]  }
0x54: {  	s20 =	sshrl.u32 s20, $0x2;
	v5 =	vld [tilespmem:s21+$0xFFFFFFE0]  }
0x55: {  	v6 =	vld [tilespmem:s21+$0xFFFFFFF0];
	s23 =	sor.u32 $0x8000, s20  }
0x56: {  	s31 =	sand.u32 $0x1, s16;
	v4 =	vld [tilespmem:s21+$0x0];
	s22 =	sadd.s32 $0x0, s23  }
0x57: {  	v3 =	vld [tilespmem:s21+$0x10];
	s20 =	smul.u32 $0x10200, s31;
	[tilespmem:s22+$0x3870 ss:$0x81] =	vst.msk $0xffff, v0  }
0x58: {  	v2 =	vld [tilespmem:s21+$0x20];
	[tilespmem:s22+$0x810 ss:$0x81] =	vst.msk $0xffff, v1  }
0x59: {  	s20 =	sshrl.u32 s20, $0x2;
	v1 =	vld [tilespmem:s21+$0xFFFFFFC0];
	[tilespmem:s22+$0x1020 ss:$0x81] =	vst.msk $0xffff, v5;
	s21 =	sadd.s32 $0x80, s21  }
0x5a: {  	s24 =	simm.s32 $0x4;
	s25 =	simm.s32 $0x8;
	s20 =	sor.u32 $0x8000, s20;
	[tilespmem:s22+$0x1830 ss:$0x81] =	vst.msk $0xffff, v6;
	v0 =	vld [tilespmem:s21+$0x30]  }
.LBB1_3:
0x5b: {  	p1 =	sne.s32 s25, $0x1FC;
	v5 =	vld [tilespmem:s21+$0xFFFFFFD0];
	[tilespmem:s22+$0x2040 ss:$0x81] =	vst.msk $0xffff, v4  }
0x5c: {  	v6 =	vld [tilespmem:s21+$0xFFFFFFE0];
	[tilespmem:s22+$0x2850 ss:$0x81] =	vst.msk $0xffff, v3  }
0x5d: {  	s26 =	sshra.s32 s24, $0x2;
	s24 =	smov.u32 s25;
	v7 =	vld [tilespmem:s21+$0xFFFFFFF0];
	[tilespmem:s22+$0x3060 ss:$0x81] =	vst.msk $0xffff, v2  }
.Ltmp3:
0x5e: {  	v4 =	vld [tilespmem:s21+$0x0];
	[tilespmem:s22+$0x0 ss:$0x81] =	vst.msk $0xffff, v1;
	s22 =	sadd.s32 s26, s23;
	(pc) =	sbr.rel @p1 .LBB1_3-.Ltmp3, $4  }
0x5f: {  	v3 =	vld [tilespmem:s21+$0x10];
	[tilespmem:s22+$0x3870 ss:$0x81] =	vst.msk $0xffff, v0  }
0x60: {  	[tilespmem:s22+$0x810 ss:$0x81] =	vst.msk $0xffff, v5;
	v2 =	vld [tilespmem:s21+$0x20]  }
0x61: {  	v1 =	vld [tilespmem:s21+$0xFFFFFFC0];
	[tilespmem:s22+$0x1020 ss:$0x81] =	vst.msk $0xffff, v6;
	s21 =	sadd.s32 $0x80, s21  }
0x62: {  	s25 =	sadd.s32 $0x4, s25;
	v0 =	vld [tilespmem:s21+$0x30];
	[tilespmem:s22+$0x1830 ss:$0x81] =	vst.msk $0xffff, v7  }
.Ltmp4:
0x63: {  	_ = 	snop;
	(pc) =	sbr.rel .LBB1_4-.Ltmp4, $1  }
0x64: {  	_ =	sdelay $0x3  }
.LBB1_6:
0x65: {  	_ =	sfence.sel $0x180000  }
0x66: {  	s2 =	simm.s32 $0x1;
	[bflag:$0x0] =	sbarrier.arrive $0xFFFF  }
0x67: {  	s31 =	simm.s32 $0x2;
	[sflag:s2] =	ssyncpa.u1 $0x1  }
0x68: {  	[sflag:s31] =	ssyncpa.u1 $0x1  }
0x69: {  	p0 =	sne.s32 s0, $0x0;
	_ =	strace $0x9000004A  }
0x6a: {  	s0 =	sadd.s32 @!p0 $0x100000, s1;
	[bflag:$0x2] =	sbarrier.arrive $0xFFFF  }
0x6b: {  	[sflag:s0] =	ssyncadd.tile.s32 @!p0 $0x1;
	_ =	shalt  }
.Lfunc_end1:
_tile_overlayer_lowered:
.L_overlay_start_2:
0x6c: {  	(tag) =	ssettag $0x2  }
0x6d: {  	s0 =	rddreg [dreg:$0x0];
	s2 =	stileid.u32  }
0x6e: {  	s1 =	rddreg [dreg:$0x1];
	p0 =	sne.s32 s2, $0x0  }
0x6f: {  	s3 =	rddreg [dreg:$0x2];
	[bflag:$0x3] =	sbarrier.arrive $0xFFFF;
	s2 =	simm.s32 @!p0 $0x1C01  }
0x70: {  	[timem:s3], [sflag:s2] =	dma.local @!p0 [hbm:s0], s1  }
0x71: {  	s0 =	simm.s32 @!p0 $0x1  }
0x72: {  	_ =	swait.ge @!p0 [sflag:s0], s1  }
0x73: {  	s1 =	ssub.s32 @!p0 $0x0, s1;
	[sflag:s0] =	ssyncset.done @!p0 $0x0  }
0x74: {  	[sflag:s0] =	ssyncadd.s32 @!p0 s1  }
0x75: {  	[bflag:$0x3] =	sbarrier.arrive $0xFFFF  }
0x76: {  	_ =	shalt  }

</sc_bundles>
